<compile_context>
chip_gen: v7x
topology: tpu7x:2x2x1
jax: 0.10.2.dev20260603
libtpu: 0.0.44.dev20260713+nightly
codegen_flags: <defaults>
</compile_context>

<pallas_src>
import functools

import jax
import jax.numpy as jnp
from jax import lax
from jax.experimental import pallas as pl
from jax.experimental.pallas import tpu as pltpu
from jax.experimental.pallas import tpu_sc as plsc

N = 10000
E = 320000
H = 128
DT = 144
NPAD = 10016
TRASH = N
NW = 32
C0 = 96
C1 = 96
RC0 = 124
RC1 = 86
PH0 = RC0 // 2
PH1 = RC1 // 2
STRIPE = NPAD // 16
ZROWS = STRIPE
BN = 400

@functools.cache
def _build_sc_edge_agg():
    mesh = plsc.VectorSubcoreMesh(core_axis_name="c", subcore_axis_name="s")

    @functools.partial(
        pl.kernel,
        out_type=jax.ShapeDtypeStruct((2 * NPAD, DT), jnp.float32),
        mesh=mesh,
        scratch_types=[
            pltpu.VMEM_SHARED((NPAD, DT), jnp.float32),
            pltpu.VMEM((PH0, C0), jnp.int32),
            pltpu.VMEM((PH0, C0), jnp.int32),
            pltpu.VMEM((PH1, C1), jnp.int32),
            pltpu.VMEM((PH1, C1), jnp.int32),
            pltpu.VMEM((C1, DT), jnp.float32),
            pltpu.SemaphoreType.DMA,
        ],
        compiler_params=pltpu.CompilerParams(use_tc_tiling_on_sc=False),
    )
    def sc_body(t_hbm, srcp0_hbm, dstp0_hbm, srcp1_hbm, dstp1_hbm, z_hbm,
                out_hbm, acc, sv0, dv0, sv1, dv1, rows_v, sem):
        c = lax.axis_index("c")
        s = lax.axis_index("s")
        base = s * STRIPE
        for j in range(STRIPE // ZROWS):
            pltpu.sync_copy(z_hbm, acc.at[pl.ds(base + j * ZROWS, ZROWS)])
        @pl.when(c == 0)
        def _():
            plsc.subcore_barrier()

            def body0(r, carry):
                rb = rows_v.at[pl.ds(0, C0)]
                pltpu.sync_copy(t_hbm.at[sv0.at[r]], rb)
                pltpu.sync_copy(rb, acc.at[dv0.at[r]], add=True)
                return carry

            for t in range(2):
                pltpu.sync_copy(srcp0_hbm.at[s, pl.ds(t * PH0, PH0)], sv0)
                pltpu.sync_copy(dstp0_hbm.at[s, pl.ds(t * PH0, PH0)], dv0)
                lax.fori_loop(0, PH0, body0, 0)
            plsc.subcore_barrier()

        @pl.when(c != 0)
        def _():
            plsc.subcore_barrier()

            def body1(r, carry):
                pltpu.sync_copy(t_hbm.at[sv1.at[r]], rows_v)
                pltpu.sync_copy(rows_v, acc.at[dv1.at[r]], add=True)
                return carry

            for t in range(2):
                pltpu.sync_copy(srcp1_hbm.at[s, pl.ds(t * PH1, PH1)], sv1)
                pltpu.sync_copy(dstp1_hbm.at[s, pl.ds(t * PH1, PH1)], dv1)
                lax.fori_loop(0, PH1, body1, 0)
            plsc.subcore_barrier()
        pltpu.sync_copy(acc.at[pl.ds(base, STRIPE)],
                        out_hbm.at[pl.ds(c * NPAD + base, STRIPE)])

    return sc_body


def _sc_edge_agg(T, srcp0, dstp0, srcp1, dstp1, zblk):
    return _build_sc_edge_agg()(T, srcp0, dstp0, srcp1, dstp1, zblk)


def _table(x, p):
    return jnp.concatenate(
        [x * p, p, jnp.zeros((x.shape[0], DT - H - 1), jnp.float32)], axis=1)


def _tc_init_table(nf, W, b, wa):
    def body(nf_ref, w_ref, b_ref, wa_ref, x_ref, t_ref):
        x = nf_ref[...] @ w_ref[...] + b_ref[...]
        x_ref[...] = x
        p = jnp.exp(x @ wa_ref[...])
        t_ref[...] = _table(x, p)

    return pl.pallas_call(
        body,
        grid=(N // BN,),
        in_specs=[pl.BlockSpec((BN, H), lambda i: (i, 0)),
                  pl.BlockSpec((H, H), lambda i: (0, 0)),
                  pl.BlockSpec((1, H), lambda i: (0, 0)),
                  pl.BlockSpec((H, 1), lambda i: (0, 0))],
        out_specs=[pl.BlockSpec((BN, H), lambda i: (i, 0)),
                   pl.BlockSpec((BN, DT), lambda i: (i, 0))],
        out_shape=[jax.ShapeDtypeStruct((N, H), jnp.float32),
                   jax.ShapeDtypeStruct((N, DT), jnp.float32)],
    )(nf, W, b.reshape(1, H), wa)


def _combine(s_ref, x_ref, wl_ref):
    ss = s_ref[0] + s_ref[1]
    denom = ss[:, H:H + 1]
    agg = jnp.where(denom != 0.0, ss[:, :H] / denom, 0.0)
    return jnp.maximum(x_ref[...] @ wl_ref[:H] + agg @ wl_ref[H:], 0.0)


def _tc_combine_table(S, x, wl, wa):
    def body(s_ref, x_ref, wl_ref, wa_ref, xo_ref, t_ref):
        xn = _combine(s_ref, x_ref, wl_ref)
        xo_ref[...] = xn
        p = jnp.exp(xn @ wa_ref[...])
        t_ref[...] = _table(xn, p)

    return pl.pallas_call(
        body,
        grid=(N // BN,),
        in_specs=[pl.BlockSpec((2, BN, DT), lambda i: (0, i, 0)),
                  pl.BlockSpec((BN, H), lambda i: (i, 0)),
                  pl.BlockSpec((2 * H, H), lambda i: (0, 0)),
                  pl.BlockSpec((H, 1), lambda i: (0, 0))],
        out_specs=[pl.BlockSpec((BN, H), lambda i: (i, 0)),
                   pl.BlockSpec((BN, DT), lambda i: (i, 0))],
        out_shape=[jax.ShapeDtypeStruct((N, H), jnp.float32),
                   jax.ShapeDtypeStruct((N, DT), jnp.float32)],
    )(S, x, wl, wa)


def _tc_combine_final(S, x, wl):
    def body(s_ref, x_ref, wl_ref, o_ref):
        o_ref[...] = _combine(s_ref, x_ref, wl_ref)

    return pl.pallas_call(
        body,
        grid=(N // BN,),
        in_specs=[pl.BlockSpec((2, BN, DT), lambda i: (0, i, 0)),
                  pl.BlockSpec((BN, H), lambda i: (i, 0)),
                  pl.BlockSpec((2 * H, H), lambda i: (0, 0))],
        out_specs=pl.BlockSpec((BN, H), lambda i: (i, 0)),
        out_shape=jax.ShapeDtypeStruct((N, H), jnp.float32),
    )(S, x, wl)


def kernel(nf, edge_index, W_init, b_init, W_lin0, W_attn0, W_lin1, W_attn1):
    src = edge_index[0].astype(jnp.int32)
    dst = edge_index[1].astype(jnp.int32)
    n0 = 16 * RC0 * C0
    n1 = 16 * RC1 * C1
    slots = n0 + n1
    src_f = jnp.concatenate([src, jnp.zeros((slots - E,), jnp.int32)])
    trash_rows = N + (jnp.arange(slots - E, dtype=jnp.int32) % (NPAD - N))
    dst_f = jnp.concatenate([dst, trash_rows])
    srcp0 = src_f[:n0].reshape(16, RC0, C0)
    dstp0 = dst_f[:n0].reshape(16, RC0, C0)
    srcp1 = src_f[n0:].reshape(16, RC1, C1)
    dstp1 = dst_f[n0:].reshape(16, RC1, C1)
    zblk = jnp.zeros((ZROWS, DT), jnp.float32)

    x0, T0 = _tc_init_table(nf, W_init, b_init, W_attn0[:H])
    S0 = _sc_edge_agg(T0, srcp0, dstp0, srcp1, dstp1, zblk).reshape(2, NPAD, DT)
    x1, T1 = _tc_combine_table(S0, x0, W_lin0, W_attn1[:H])
    S1 = _sc_edge_agg(T1, srcp0, dstp0, srcp1, dstp1, zblk).reshape(2, NPAD, DT)
    return _tc_combine_final(S1, x1, W_lin1)

# --- scband reference (transcript-rebuilt; emitter-appended) ---
"""Pipeline reference for scband-gnnbackbone-7310034338075 (READ-ONLY COPY).

The authoritative reference and input builder live on the scoring server;
editing this copy changes nothing except your own understanding.
"""

import jax, jax.numpy as jnp
import numpy as np

N = 10000
E = 320000
D_IN = 128
H = 128


def setup_inputs(seed: int = 0) -> dict:
    key = jax.random.key(seed)
    ks = jax.random.split(key, 8)
    nf = jax.random.normal(ks[0], (N, D_IN), dtype=jnp.float32)
    edge_index = jax.random.randint(ks[1], (2, E), 0, N)
    W_init = jax.random.normal(ks[2], (D_IN, H), dtype=jnp.float32) * 0.05
    b_init = jnp.zeros((H,), dtype=jnp.float32)
    W_lin0 = jax.random.normal(ks[3], (2 * H, H), dtype=jnp.float32) * 0.05
    W_attn0 = jax.random.normal(ks[4], (2 * H, 1), dtype=jnp.float32) * 0.05
    W_lin1 = jax.random.normal(ks[5], (2 * H, H), dtype=jnp.float32) * 0.05
    W_attn1 = jax.random.normal(ks[6], (2 * H, 1), dtype=jnp.float32) * 0.05
    return {"nf": nf, "edge_index": edge_index, "W_init": W_init, "b_init": b_init,
            "W_lin0": W_lin0, "W_attn0": W_attn0, "W_lin1": W_lin1, "W_attn1": W_attn1}


def _scatter_softmax(ef, dst, num_nodes):
    m = jax.ops.segment_max(ef, dst, num_segments=num_nodes)
    ef_exp = jnp.exp(ef - m[dst])
    denom = jax.ops.segment_sum(ef_exp, dst, num_segments=num_nodes)
    return ef_exp / denom[dst]


def _gat_layer(x, src, dst, W_lin, W_attn):
    num_nodes = x.shape[0]
    src_nf = x[src]
    dst_nf = x[dst]
    ef = (jnp.concatenate([src_nf, dst_nf], axis=-1) @ W_attn).squeeze(-1)
    alpha = _scatter_softmax(ef, dst, num_nodes)[:, None]
    msg = alpha * src_nf
    agg = jax.ops.segment_sum(msg, dst, num_segments=num_nodes)
    return jax.nn.relu(jnp.concatenate([x, agg], axis=-1) @ W_lin)


def reference(nf, edge_index, W_init, b_init, W_lin0, W_attn0, W_lin1, W_attn1):
    src = edge_index[0]
    dst = edge_index[1]
    x = nf @ W_init + b_init
    x = _gat_layer(x, src, dst, W_lin0, W_attn0)
    x = _gat_layer(x, src, dst, W_lin1, W_attn1)
    return x

if __name__ == "__main__":
    import jax
    _d = setup_inputs()
    print(jax.jit(kernel)(*tuple(_d.values())))

</pallas_src>

<mosaic_0001>
#map = affine_map<(d0, d1) -> (0, 0)>
#map1 = affine_map<(d0, d1) -> (0, 0, 0)>
module attributes {stable_mosaic.version = 14 : i64} {
  func.func @sc_body(%arg0: i32, %arg1: i32, %arg2: memref<10000x144xf32, #tpu.memory_space<hbm>>, %arg3: memref<16x124x96xi32, #tpu.memory_space<hbm>>, %arg4: memref<16x124x96xi32, #tpu.memory_space<hbm>>, %arg5: memref<16x86x96xi32, #tpu.memory_space<hbm>>, %arg6: memref<16x86x96xi32, #tpu.memory_space<hbm>>, %arg7: memref<626x144xf32, #tpu.memory_space<hbm>>, %arg8: memref<20032x144xf32, #tpu.memory_space<hbm>>, %arg9: memref<10016x144xf32, #tpu.memory_space<vmem_shared>>, %arg10: memref<62x96xi32, #tpu.memory_space<vmem>>, %arg11: memref<62x96xi32, #tpu.memory_space<vmem>>, %arg12: memref<43x96xi32, #tpu.memory_space<vmem>>, %arg13: memref<43x96xi32, #tpu.memory_space<vmem>>, %arg14: memref<96x144xf32, #tpu.memory_space<vmem>>, %arg15: memref<!tpu.dma_semaphore, #tpu.memory_space<semaphore_mem>>) attributes {dimension_semantics = [#tpu.dimension_semantics<core_parallel>, #tpu.dimension_semantics<subcore_parallel>], iteration_bounds = array<i64: 2, 16>, scalar_prefetch = 0 : i64, scratch_operands = 7 : i64, tpu.core_type = #tpu.core_type<sc_vector_subcore>, window_params = [{transform_indices = #map}, {transform_indices = #map1}, {transform_indices = #map1}, {transform_indices = #map1}, {transform_indices = #map1}, {transform_indices = #map}, {transform_indices = #map}]} {
    %mul3A = arith.constant 626 : i32
    %mul3A_0 = arith.muli %arg1, %mul3A : i32
    %add3A = arith.constant 0 : i32
    %add3A_1 = arith.addi %mul3A_0, %add3A : i32
    "tpu.region"() ({
      %run_scoped3A = tpu.sem_alloc : memref<!tpu.dma_semaphore, #tpu.memory_space<semaphore_mem>>
      %dma_start3A = arith.constant 0 : i32
      %dma_start3A_11 = tpu.memref_slice %arg9[%add3A_1, %dma_start3A] : memref<10016x144xf32, #tpu.memory_space<vmem_shared>> -> memref<626x144xf32, #tpu.memory_space<vmem_shared>>
      tpu.enqueue_dma source(%arg7 : memref<626x144xf32, #tpu.memory_space<hbm>>) target(%dma_start3A_11 : memref<626x144xf32, #tpu.memory_space<vmem_shared>>) target_semaphore(%run_scoped3A : memref<!tpu.dma_semaphore, #tpu.memory_space<semaphore_mem>>)
      %dma_wait3A = arith.constant 0 : i32
      %dma_wait3A_12 = tpu.memref_slice %arg9[%add3A_1, %dma_wait3A] : memref<10016x144xf32, #tpu.memory_space<vmem_shared>> -> memref<626x144xf32, #tpu.memory_space<vmem_shared>>
      tpu.wait_dma2 semaphore(%run_scoped3A : memref<!tpu.dma_semaphore, #tpu.memory_space<semaphore_mem>>) src(%arg7 : memref<626x144xf32, #tpu.memory_space<hbm>>) dst(%dma_wait3A_12 : memref<626x144xf32, #tpu.memory_space<vmem_shared>>)
      tpu.yield
    }) : () -> ()
    %eq3A = arith.constant 0 : i32
    %eq3A_2 = arith.cmpi eq, %arg0, %eq3A : i32
    %convert_element_type3A = arith.extui %eq3A_2 : i1 to i32
    %cond3A = arith.constant 0 : i32
    %cond3A_3 = arith.cmpi ne, %convert_element_type3A, %cond3A : i32
    scf.if %cond3A_3 {
      %barrier3A = arith.constant 0 : index
      tpu.barrier barrier_id(%barrier3A)
      "tpu.region"() ({
        %run_scoped3A = tpu.sem_alloc : memref<!tpu.dma_semaphore, #tpu.memory_space<semaphore_mem>>
        %dma_start3A = arith.constant 0 : i32
        %dma_start3A_23 = arith.constant 0 : i32
        %dma_start3A_24 = tpu.memref_slice %arg3[%arg1, %dma_start3A, %dma_start3A_23] : memref<16x124x96xi32, #tpu.memory_space<hbm>> -> memref<1x62x96xi32, #tpu.memory_space<hbm>>
        %dma_start3A_25 = tpu.memref_squeeze %dma_start3A_24 : memref<1x62x96xi32, #tpu.memory_space<hbm>> -> memref<62x96xi32, #tpu.memory_space<hbm>>
        %dma_start3A_26 = arith.constant 0 : i32
        %dma_start3A_27 = arith.constant 0 : i32
        %dma_start3A_28 = tpu.memref_slice %arg3[%arg1, %dma_start3A_26, %dma_start3A_27] : memref<16x124x96xi32, #tpu.memory_space<hbm>> -> memref<1x62x96xi32, #tpu.memory_space<hbm>>
        %dma_start3A_29 = tpu.memref_squeeze %dma_start3A_28 : memref<1x62x96xi32, #tpu.memory_space<hbm>> -> memref<62x96xi32, #tpu.memory_space<hbm>>
        tpu.enqueue_dma source(%dma_start3A_29 : memref<62x96xi32, #tpu.memory_space<hbm>>) target(%arg10 : memref<62x96xi32, #tpu.memory_space<vmem>>) target_semaphore(%run_scoped3A : memref<!tpu.dma_semaphore, #tpu.memory_space<semaphore_mem>>)
        %dma_wait3A = arith.constant 0 : i32
        %dma_wait3A_30 = arith.constant 0 : i32
        %dma_wait3A_31 = tpu.memref_slice %arg3[%arg1, %dma_wait3A, %dma_wait3A_30] : memref<16x124x96xi32, #tpu.memory_space<hbm>> -> memref<1x62x96xi32, #tpu.memory_space<hbm>>
        %dma_wait3A_32 = tpu.memref_squeeze %dma_wait3A_31 : memref<1x62x96xi32, #tpu.memory_space<hbm>> -> memref<62x96xi32, #tpu.memory_space<hbm>>
        %dma_wait3A_33 = arith.constant 0 : i32
        %dma_wait3A_34 = arith.constant 0 : i32
        %dma_wait3A_35 = tpu.memref_slice %arg3[%arg1, %dma_wait3A_33, %dma_wait3A_34] : memref<16x124x96xi32, #tpu.memory_space<hbm>> -> memref<1x62x96xi32, #tpu.memory_space<hbm>>
        %dma_wait3A_36 = tpu.memref_squeeze %dma_wait3A_35 : memref<1x62x96xi32, #tpu.memory_space<hbm>> -> memref<62x96xi32, #tpu.memory_space<hbm>>
        tpu.wait_dma2 semaphore(%run_scoped3A : memref<!tpu.dma_semaphore, #tpu.memory_space<semaphore_mem>>) src(%dma_wait3A_36 : memref<62x96xi32, #tpu.memory_space<hbm>>) dst(%arg10 : memref<62x96xi32, #tpu.memory_space<vmem>>)
        tpu.yield
      }) : () -> ()
      "tpu.region"() ({
        %run_scoped3A = tpu.sem_alloc : memref<!tpu.dma_semaphore, #tpu.memory_space<semaphore_mem>>
        %dma_start3A = arith.constant 0 : i32
        %dma_start3A_23 = arith.constant 0 : i32
        %dma_start3A_24 = tpu.memref_slice %arg4[%arg1, %dma_start3A, %dma_start3A_23] : memref<16x124x96xi32, #tpu.memory_space<hbm>> -> memref<1x62x96xi32, #tpu.memory_space<hbm>>
        %dma_start3A_25 = tpu.memref_squeeze %dma_start3A_24 : memref<1x62x96xi32, #tpu.memory_space<hbm>> -> memref<62x96xi32, #tpu.memory_space<hbm>>
        %dma_start3A_26 = arith.constant 0 : i32
        %dma_start3A_27 = arith.constant 0 : i32
        %dma_start3A_28 = tpu.memref_slice %arg4[%arg1, %dma_start3A_26, %dma_start3A_27] : memref<16x124x96xi32, #tpu.memory_space<hbm>> -> memref<1x62x96xi32, #tpu.memory_space<hbm>>
        %dma_start3A_29 = tpu.memref_squeeze %dma_start3A_28 : memref<1x62x96xi32, #tpu.memory_space<hbm>> -> memref<62x96xi32, #tpu.memory_space<hbm>>
        tpu.enqueue_dma source(%dma_start3A_29 : memref<62x96xi32, #tpu.memory_space<hbm>>) target(%arg11 : memref<62x96xi32, #tpu.memory_space<vmem>>) target_semaphore(%run_scoped3A : memref<!tpu.dma_semaphore, #tpu.memory_space<semaphore_mem>>)
        %dma_wait3A = arith.constant 0 : i32
        %dma_wait3A_30 = arith.constant 0 : i32
        %dma_wait3A_31 = tpu.memref_slice %arg4[%arg1, %dma_wait3A, %dma_wait3A_30] : memref<16x124x96xi32, #tpu.memory_space<hbm>> -> memref<1x62x96xi32, #tpu.memory_space<hbm>>
        %dma_wait3A_32 = tpu.memref_squeeze %dma_wait3A_31 : memref<1x62x96xi32, #tpu.memory_space<hbm>> -> memref<62x96xi32, #tpu.memory_space<hbm>>
        %dma_wait3A_33 = arith.constant 0 : i32
        %dma_wait3A_34 = arith.constant 0 : i32
        %dma_wait3A_35 = tpu.memref_slice %arg4[%arg1, %dma_wait3A_33, %dma_wait3A_34] : memref<16x124x96xi32, #tpu.memory_space<hbm>> -> memref<1x62x96xi32, #tpu.memory_space<hbm>>
        %dma_wait3A_36 = tpu.memref_squeeze %dma_wait3A_35 : memref<1x62x96xi32, #tpu.memory_space<hbm>> -> memref<62x96xi32, #tpu.memory_space<hbm>>
        tpu.wait_dma2 semaphore(%run_scoped3A : memref<!tpu.dma_semaphore, #tpu.memory_space<semaphore_mem>>) src(%dma_wait3A_36 : memref<62x96xi32, #tpu.memory_space<hbm>>) dst(%arg11 : memref<62x96xi32, #tpu.memory_space<vmem>>)
        tpu.yield
      }) : () -> ()
      %scan3A = arith.constant 0 : i32
      %scan3A_11 = arith.constant 0 : i32
      %scan3A_12 = arith.constant 62 : i32
      %scan3A_13 = arith.addi %scan3A_11, %scan3A_12 : i32
      %scan3A_14 = arith.constant 1 : i32
      scf.for %scan3A_23 = %scan3A_11 to %scan3A_13 step %scan3A_14  : i32 {
        "tpu.region"() ({
          %run_scoped3A = tpu.sem_alloc : memref<!tpu.dma_semaphore, #tpu.memory_space<semaphore_mem>>
          %dma_start3A = arith.constant 0 : i32
          %dma_start3A_24 = arith.constant 0 : i32
          %dma_start3A_25 = tpu.memref_slice %arg14[%dma_start3A, %dma_start3A_24] : memref<96x144xf32, #tpu.memory_space<vmem>> -> memref<96x144xf32, #tpu.memory_space<vmem>>
          %dma_start3A_26 = arith.constant 0 : i32
          %dma_start3A_27 = tpu.memref_slice %arg10[%scan3A_23, %dma_start3A_26] : memref<62x96xi32, #tpu.memory_space<vmem>> -> memref<1x96xi32, #tpu.memory_space<vmem>>
          %dma_start3A_28 = tpu.memref_squeeze %dma_start3A_27 : memref<1x96xi32, #tpu.memory_space<vmem>> -> memref<96xi32, #tpu.memory_space<vmem>>
          %dma_start3A_29 = arith.constant 0 : i32
          %dma_start3A_30 = arith.constant 0 : i32
          %dma_start3A_31 = tpu.memref_slice %arg2[%dma_start3A_29, %dma_start3A_30] : memref<10000x144xf32, #tpu.memory_space<hbm>> -> memref<10000x144xf32, #tpu.memory_space<hbm>>
          tpu.enqueue_indirect_dma source(%dma_start3A_31 : memref<10000x144xf32, #tpu.memory_space<hbm>>) target(%dma_start3A_25 : memref<96x144xf32, #tpu.memory_space<vmem>>) offsets(%dma_start3A_28 : memref<96xi32, #tpu.memory_space<vmem>>) semaphore(%run_scoped3A : memref<!tpu.dma_semaphore, #tpu.memory_space<semaphore_mem>>)
          %dma_wait3A = arith.constant 0 : i32
          %dma_wait3A_32 = arith.constant 0 : i32
          %dma_wait3A_33 = tpu.memref_slice %arg14[%dma_wait3A, %dma_wait3A_32] : memref<96x144xf32, #tpu.memory_space<vmem>> -> memref<96x144xf32, #tpu.memory_space<vmem>>
          %dma_wait3A_34 = arith.constant 0 : i32
          %dma_wait3A_35 = tpu.memref_slice %arg10[%scan3A_23, %dma_wait3A_34] : memref<62x96xi32, #tpu.memory_space<vmem>> -> memref<1x96xi32, #tpu.memory_space<vmem>>
          %dma_wait3A_36 = tpu.memref_squeeze %dma_wait3A_35 : memref<1x96xi32, #tpu.memory_space<vmem>> -> memref<96xi32, #tpu.memory_space<vmem>>
          %dma_wait3A_37 = arith.constant 0 : i32
          %dma_wait3A_38 = arith.constant 0 : i32
          %dma_wait3A_39 = tpu.memref_slice %arg2[%dma_wait3A_37, %dma_wait3A_38] : memref<10000x144xf32, #tpu.memory_space<hbm>> -> memref<10000x144xf32, #tpu.memory_space<hbm>>
          tpu.wait_indirect_dma semaphore(%run_scoped3A : memref<!tpu.dma_semaphore, #tpu.memory_space<semaphore_mem>>) src(%dma_wait3A_39 : memref<10000x144xf32, #tpu.memory_space<hbm>>) dst(%dma_wait3A_33 : memref<96x144xf32, #tpu.memory_space<vmem>>)
          tpu.yield
        }) : () -> ()
        "tpu.region"() ({
          %run_scoped3A = tpu.sem_alloc : memref<!tpu.dma_semaphore, #tpu.memory_space<semaphore_mem>>
          %dma_start3A = arith.constant 0 : i32
          %dma_start3A_24 = arith.constant 0 : i32
          %dma_start3A_25 = tpu.memref_slice %arg14[%dma_start3A, %dma_start3A_24] : memref<96x144xf32, #tpu.memory_space<vmem>> -> memref<96x144xf32, #tpu.memory_space<vmem>>
          %dma_start3A_26 = arith.constant 0 : i32
          %dma_start3A_27 = tpu.memref_slice %arg11[%scan3A_23, %dma_start3A_26] : memref<62x96xi32, #tpu.memory_space<vmem>> -> memref<1x96xi32, #tpu.memory_space<vmem>>
          %dma_start3A_28 = tpu.memref_squeeze %dma_start3A_27 : memref<1x96xi32, #tpu.memory_space<vmem>> -> memref<96xi32, #tpu.memory_space<vmem>>
          %dma_start3A_29 = arith.constant 0 : i32
          %dma_start3A_30 = arith.constant 0 : i32
          %dma_start3A_31 = tpu.memref_slice %arg9[%dma_start3A_29, %dma_start3A_30] : memref<10016x144xf32, #tpu.memory_space<vmem_shared>> -> memref<10016x144xf32, #tpu.memory_space<vmem_shared>>
          tpu.enqueue_indirect_dma source(%dma_start3A_25 : memref<96x144xf32, #tpu.memory_space<vmem>>) target(%dma_start3A_31 : memref<10016x144xf32, #tpu.memory_space<vmem_shared>>) offsets(%dma_start3A_28 : memref<96xi32, #tpu.memory_space<vmem>>) semaphore(%run_scoped3A : memref<!tpu.dma_semaphore, #tpu.memory_space<semaphore_mem>>) {add = true}
          %dma_wait3A = arith.constant 0 : i32
          %dma_wait3A_32 = arith.constant 0 : i32
          %dma_wait3A_33 = tpu.memref_slice %arg14[%dma_wait3A, %dma_wait3A_32] : memref<96x144xf32, #tpu.memory_space<vmem>> -> memref<96x144xf32, #tpu.memory_space<vmem>>
          %dma_wait3A_34 = arith.constant 0 : i32
          %dma_wait3A_35 = tpu.memref_slice %arg11[%scan3A_23, %dma_wait3A_34] : memref<62x96xi32, #tpu.memory_space<vmem>> -> memref<1x96xi32, #tpu.memory_space<vmem>>
          %dma_wait3A_36 = tpu.memref_squeeze %dma_wait3A_35 : memref<1x96xi32, #tpu.memory_space<vmem>> -> memref<96xi32, #tpu.memory_space<vmem>>
          %dma_wait3A_37 = arith.constant 0 : i32
          %dma_wait3A_38 = arith.constant 0 : i32
          %dma_wait3A_39 = tpu.memref_slice %arg9[%dma_wait3A_37, %dma_wait3A_38] : memref<10016x144xf32, #tpu.memory_space<vmem_shared>> -> memref<10016x144xf32, #tpu.memory_space<vmem_shared>>
          tpu.wait_indirect_dma semaphore(%run_scoped3A : memref<!tpu.dma_semaphore, #tpu.memory_space<semaphore_mem>>) src(%dma_wait3A_33 : memref<96x144xf32, #tpu.memory_space<vmem>>) dst(%dma_wait3A_39 : memref<10016x144xf32, #tpu.memory_space<vmem_shared>>)
          tpu.yield
        }) : () -> ()
      }
      %scan3A_15 = arith.constant 62 : i32
      "tpu.region"() ({
        %run_scoped3A = tpu.sem_alloc : memref<!tpu.dma_semaphore, #tpu.memory_space<semaphore_mem>>
        %dma_start3A = arith.constant 62 : i32
        %dma_start3A_23 = arith.constant 0 : i32
        %dma_start3A_24 = tpu.memref_slice %arg3[%arg1, %dma_start3A, %dma_start3A_23] : memref<16x124x96xi32, #tpu.memory_space<hbm>> -> memref<1x62x96xi32, #tpu.memory_space<hbm>>
        %dma_start3A_25 = tpu.memref_squeeze %dma_start3A_24 : memref<1x62x96xi32, #tpu.memory_space<hbm>> -> memref<62x96xi32, #tpu.memory_space<hbm>>
        %dma_start3A_26 = arith.constant 62 : i32
        %dma_start3A_27 = arith.constant 0 : i32
        %dma_start3A_28 = tpu.memref_slice %arg3[%arg1, %dma_start3A_26, %dma_start3A_27] : memref<16x124x96xi32, #tpu.memory_space<hbm>> -> memref<1x62x96xi32, #tpu.memory_space<hbm>>
        %dma_start3A_29 = tpu.memref_squeeze %dma_start3A_28 : memref<1x62x96xi32, #tpu.memory_space<hbm>> -> memref<62x96xi32, #tpu.memory_space<hbm>>
        tpu.enqueue_dma source(%dma_start3A_29 : memref<62x96xi32, #tpu.memory_space<hbm>>) target(%arg10 : memref<62x96xi32, #tpu.memory_space<vmem>>) target_semaphore(%run_scoped3A : memref<!tpu.dma_semaphore, #tpu.memory_space<semaphore_mem>>)
        %dma_wait3A = arith.constant 62 : i32
        %dma_wait3A_30 = arith.constant 0 : i32
        %dma_wait3A_31 = tpu.memref_slice %arg3[%arg1, %dma_wait3A, %dma_wait3A_30] : memref<16x124x96xi32, #tpu.memory_space<hbm>> -> memref<1x62x96xi32, #tpu.memory_space<hbm>>
        %dma_wait3A_32 = tpu.memref_squeeze %dma_wait3A_31 : memref<1x62x96xi32, #tpu.memory_space<hbm>> -> memref<62x96xi32, #tpu.memory_space<hbm>>
        %dma_wait3A_33 = arith.constant 62 : i32
        %dma_wait3A_34 = arith.constant 0 : i32
        %dma_wait3A_35 = tpu.memref_slice %arg3[%arg1, %dma_wait3A_33, %dma_wait3A_34] : memref<16x124x96xi32, #tpu.memory_space<hbm>> -> memref<1x62x96xi32, #tpu.memory_space<hbm>>
        %dma_wait3A_36 = tpu.memref_squeeze %dma_wait3A_35 : memref<1x62x96xi32, #tpu.memory_space<hbm>> -> memref<62x96xi32, #tpu.memory_space<hbm>>
        tpu.wait_dma2 semaphore(%run_scoped3A : memref<!tpu.dma_semaphore, #tpu.memory_space<semaphore_mem>>) src(%dma_wait3A_36 : memref<62x96xi32, #tpu.memory_space<hbm>>) dst(%arg10 : memref<62x96xi32, #tpu.memory_space<vmem>>)
        tpu.yield
      }) : () -> ()
      "tpu.region"() ({
        %run_scoped3A = tpu.sem_alloc : memref<!tpu.dma_semaphore, #tpu.memory_space<semaphore_mem>>
        %dma_start3A = arith.constant 62 : i32
        %dma_start3A_23 = arith.constant 0 : i32
        %dma_start3A_24 = tpu.memref_slice %arg4[%arg1, %dma_start3A, %dma_start3A_23] : memref<16x124x96xi32, #tpu.memory_space<hbm>> -> memref<1x62x96xi32, #tpu.memory_space<hbm>>
        %dma_start3A_25 = tpu.memref_squeeze %dma_start3A_24 : memref<1x62x96xi32, #tpu.memory_space<hbm>> -> memref<62x96xi32, #tpu.memory_space<hbm>>
        %dma_start3A_26 = arith.constant 62 : i32
        %dma_start3A_27 = arith.constant 0 : i32
        %dma_start3A_28 = tpu.memref_slice %arg4[%arg1, %dma_start3A_26, %dma_start3A_27] : memref<16x124x96xi32, #tpu.memory_space<hbm>> -> memref<1x62x96xi32, #tpu.memory_space<hbm>>
        %dma_start3A_29 = tpu.memref_squeeze %dma_start3A_28 : memref<1x62x96xi32, #tpu.memory_space<hbm>> -> memref<62x96xi32, #tpu.memory_space<hbm>>
        tpu.enqueue_dma source(%dma_start3A_29 : memref<62x96xi32, #tpu.memory_space<hbm>>) target(%arg11 : memref<62x96xi32, #tpu.memory_space<vmem>>) target_semaphore(%run_scoped3A : memref<!tpu.dma_semaphore, #tpu.memory_space<semaphore_mem>>)
        %dma_wait3A = arith.constant 62 : i32
        %dma_wait3A_30 = arith.constant 0 : i32
        %dma_wait3A_31 = tpu.memref_slice %arg4[%arg1, %dma_wait3A, %dma_wait3A_30] : memref<16x124x96xi32, #tpu.memory_space<hbm>> -> memref<1x62x96xi32, #tpu.memory_space<hbm>>
        %dma_wait3A_32 = tpu.memref_squeeze %dma_wait3A_31 : memref<1x62x96xi32, #tpu.memory_space<hbm>> -> memref<62x96xi32, #tpu.memory_space<hbm>>
        %dma_wait3A_33 = arith.constant 62 : i32
        %dma_wait3A_34 = arith.constant 0 : i32
        %dma_wait3A_35 = tpu.memref_slice %arg4[%arg1, %dma_wait3A_33, %dma_wait3A_34] : memref<16x124x96xi32, #tpu.memory_space<hbm>> -> memref<1x62x96xi32, #tpu.memory_space<hbm>>
        %dma_wait3A_36 = tpu.memref_squeeze %dma_wait3A_35 : memref<1x62x96xi32, #tpu.memory_space<hbm>> -> memref<62x96xi32, #tpu.memory_space<hbm>>
        tpu.wait_dma2 semaphore(%run_scoped3A : memref<!tpu.dma_semaphore, #tpu.memory_space<semaphore_mem>>) src(%dma_wait3A_36 : memref<62x96xi32, #tpu.memory_space<hbm>>) dst(%arg11 : memref<62x96xi32, #tpu.memory_space<vmem>>)
        tpu.yield
      }) : () -> ()
      %scan3A_16 = arith.constant 0 : i32
      %scan3A_17 = arith.constant 0 : i32
      %scan3A_18 = arith.constant 62 : i32
      %scan3A_19 = arith.addi %scan3A_17, %scan3A_18 : i32
      %scan3A_20 = arith.constant 1 : i32
      scf.for %scan3A_23 = %scan3A_17 to %scan3A_19 step %scan3A_20  : i32 {
        "tpu.region"() ({
          %run_scoped3A = tpu.sem_alloc : memref<!tpu.dma_semaphore, #tpu.memory_space<semaphore_mem>>
          %dma_start3A = arith.constant 0 : i32
          %dma_start3A_24 = arith.constant 0 : i32
          %dma_start3A_25 = tpu.memref_slice %arg14[%dma_start3A, %dma_start3A_24] : memref<96x144xf32, #tpu.memory_space<vmem>> -> memref<96x144xf32, #tpu.memory_space<vmem>>
          %dma_start3A_26 = arith.constant 0 : i32
          %dma_start3A_27 = tpu.memref_slice %arg10[%scan3A_23, %dma_start3A_26] : memref<62x96xi32, #tpu.memory_space<vmem>> -> memref<1x96xi32, #tpu.memory_space<vmem>>
          %dma_start3A_28 = tpu.memref_squeeze %dma_start3A_27 : memref<1x96xi32, #tpu.memory_space<vmem>> -> memref<96xi32, #tpu.memory_space<vmem>>
          %dma_start3A_29 = arith.constant 0 : i32
          %dma_start3A_30 = arith.constant 0 : i32
          %dma_start3A_31 = tpu.memref_slice %arg2[%dma_start3A_29, %dma_start3A_30] : memref<10000x144xf32, #tpu.memory_space<hbm>> -> memref<10000x144xf32, #tpu.memory_space<hbm>>
          tpu.enqueue_indirect_dma source(%dma_start3A_31 : memref<10000x144xf32, #tpu.memory_space<hbm>>) target(%dma_start3A_25 : memref<96x144xf32, #tpu.memory_space<vmem>>) offsets(%dma_start3A_28 : memref<96xi32, #tpu.memory_space<vmem>>) semaphore(%run_scoped3A : memref<!tpu.dma_semaphore, #tpu.memory_space<semaphore_mem>>)
          %dma_wait3A = arith.constant 0 : i32
          %dma_wait3A_32 = arith.constant 0 : i32
          %dma_wait3A_33 = tpu.memref_slice %arg14[%dma_wait3A, %dma_wait3A_32] : memref<96x144xf32, #tpu.memory_space<vmem>> -> memref<96x144xf32, #tpu.memory_space<vmem>>
          %dma_wait3A_34 = arith.constant 0 : i32
          %dma_wait3A_35 = tpu.memref_slice %arg10[%scan3A_23, %dma_wait3A_34] : memref<62x96xi32, #tpu.memory_space<vmem>> -> memref<1x96xi32, #tpu.memory_space<vmem>>
          %dma_wait3A_36 = tpu.memref_squeeze %dma_wait3A_35 : memref<1x96xi32, #tpu.memory_space<vmem>> -> memref<96xi32, #tpu.memory_space<vmem>>
          %dma_wait3A_37 = arith.constant 0 : i32
          %dma_wait3A_38 = arith.constant 0 : i32
          %dma_wait3A_39 = tpu.memref_slice %arg2[%dma_wait3A_37, %dma_wait3A_38] : memref<10000x144xf32, #tpu.memory_space<hbm>> -> memref<10000x144xf32, #tpu.memory_space<hbm>>
          tpu.wait_indirect_dma semaphore(%run_scoped3A : memref<!tpu.dma_semaphore, #tpu.memory_space<semaphore_mem>>) src(%dma_wait3A_39 : memref<10000x144xf32, #tpu.memory_space<hbm>>) dst(%dma_wait3A_33 : memref<96x144xf32, #tpu.memory_space<vmem>>)
          tpu.yield
        }) : () -> ()
        "tpu.region"() ({
          %run_scoped3A = tpu.sem_alloc : memref<!tpu.dma_semaphore, #tpu.memory_space<semaphore_mem>>
          %dma_start3A = arith.constant 0 : i32
          %dma_start3A_24 = arith.constant 0 : i32
          %dma_start3A_25 = tpu.memref_slice %arg14[%dma_start3A, %dma_start3A_24] : memref<96x144xf32, #tpu.memory_space<vmem>> -> memref<96x144xf32, #tpu.memory_space<vmem>>
          %dma_start3A_26 = arith.constant 0 : i32
          %dma_start3A_27 = tpu.memref_slice %arg11[%scan3A_23, %dma_start3A_26] : memref<62x96xi32, #tpu.memory_space<vmem>> -> memref<1x96xi32, #tpu.memory_space<vmem>>
          %dma_start3A_28 = tpu.memref_squeeze %dma_start3A_27 : memref<1x96xi32, #tpu.memory_space<vmem>> -> memref<96xi32, #tpu.memory_space<vmem>>
          %dma_start3A_29 = arith.constant 0 : i32
          %dma_start3A_30 = arith.constant 0 : i32
          %dma_start3A_31 = tpu.memref_slice %arg9[%dma_start3A_29, %dma_start3A_30] : memref<10016x144xf32, #tpu.memory_space<vmem_shared>> -> memref<10016x144xf32, #tpu.memory_space<vmem_shared>>
          tpu.enqueue_indirect_dma source(%dma_start3A_25 : memref<96x144xf32, #tpu.memory_space<vmem>>) target(%dma_start3A_31 : memref<10016x144xf32, #tpu.memory_space<vmem_shared>>) offsets(%dma_start3A_28 : memref<96xi32, #tpu.memory_space<vmem>>) semaphore(%run_scoped3A : memref<!tpu.dma_semaphore, #tpu.memory_space<semaphore_mem>>) {add = true}
          %dma_wait3A = arith.constant 0 : i32
          %dma_wait3A_32 = arith.constant 0 : i32
          %dma_wait3A_33 = tpu.memref_slice %arg14[%dma_wait3A, %dma_wait3A_32] : memref<96x144xf32, #tpu.memory_space<vmem>> -> memref<96x144xf32, #tpu.memory_space<vmem>>
          %dma_wait3A_34 = arith.constant 0 : i32
          %dma_wait3A_35 = tpu.memref_slice %arg11[%scan3A_23, %dma_wait3A_34] : memref<62x96xi32, #tpu.memory_space<vmem>> -> memref<1x96xi32, #tpu.memory_space<vmem>>
          %dma_wait3A_36 = tpu.memref_squeeze %dma_wait3A_35 : memref<1x96xi32, #tpu.memory_space<vmem>> -> memref<96xi32, #tpu.memory_space<vmem>>
          %dma_wait3A_37 = arith.constant 0 : i32
          %dma_wait3A_38 = arith.constant 0 : i32
          %dma_wait3A_39 = tpu.memref_slice %arg9[%dma_wait3A_37, %dma_wait3A_38] : memref<10016x144xf32, #tpu.memory_space<vmem_shared>> -> memref<10016x144xf32, #tpu.memory_space<vmem_shared>>
          tpu.wait_indirect_dma semaphore(%run_scoped3A : memref<!tpu.dma_semaphore, #tpu.memory_space<semaphore_mem>>) src(%dma_wait3A_33 : memref<96x144xf32, #tpu.memory_space<vmem>>) dst(%dma_wait3A_39 : memref<10016x144xf32, #tpu.memory_space<vmem_shared>>)
          tpu.yield
        }) : () -> ()
      }
      %scan3A_21 = arith.constant 62 : i32
      %barrier3A_22 = arith.constant 0 : index
      tpu.barrier barrier_id(%barrier3A_22)
    } else {
    }
    %ne3A = arith.constant 0 : i32
    %ne3A_4 = arith.cmpi ne, %arg0, %ne3A : i32
    %convert_element_type3A_5 = arith.extui %ne3A_4 : i1 to i32
    %cond3A_6 = arith.constant 0 : i32
    %cond3A_7 = arith.cmpi ne, %convert_element_type3A_5, %cond3A_6 : i32
    scf.if %cond3A_7 {
      %barrier3A = arith.constant 0 : index
      tpu.barrier barrier_id(%barrier3A)
      "tpu.region"() ({
        %run_scoped3A = tpu.sem_alloc : memref<!tpu.dma_semaphore, #tpu.memory_space<semaphore_mem>>
        %dma_start3A = arith.constant 0 : i32
        %dma_start3A_23 = arith.constant 0 : i32
        %dma_start3A_24 = tpu.memref_slice %arg5[%arg1, %dma_start3A, %dma_start3A_23] : memref<16x86x96xi32, #tpu.memory_space<hbm>> -> memref<1x43x96xi32, #tpu.memory_space<hbm>>
        %dma_start3A_25 = tpu.memref_squeeze %dma_start3A_24 : memref<1x43x96xi32, #tpu.memory_space<hbm>> -> memref<43x96xi32, #tpu.memory_space<hbm>>
        %dma_start3A_26 = arith.constant 0 : i32
        %dma_start3A_27 = arith.constant 0 : i32
        %dma_start3A_28 = tpu.memref_slice %arg5[%arg1, %dma_start3A_26, %dma_start3A_27] : memref<16x86x96xi32, #tpu.memory_space<hbm>> -> memref<1x43x96xi32, #tpu.memory_space<hbm>>
        %dma_start3A_29 = tpu.memref_squeeze %dma_start3A_28 : memref<1x43x96xi32, #tpu.memory_space<hbm>> -> memref<43x96xi32, #tpu.memory_space<hbm>>
        tpu.enqueue_dma source(%dma_start3A_29 : memref<43x96xi32, #tpu.memory_space<hbm>>) target(%arg12 : memref<43x96xi32, #tpu.memory_space<vmem>>) target_semaphore(%run_scoped3A : memref<!tpu.dma_semaphore, #tpu.memory_space<semaphore_mem>>)
        %dma_wait3A = arith.constant 0 : i32
        %dma_wait3A_30 = arith.constant 0 : i32
        %dma_wait3A_31 = tpu.memref_slice %arg5[%arg1, %dma_wait3A, %dma_wait3A_30] : memref<16x86x96xi32, #tpu.memory_space<hbm>> -> memref<1x43x96xi32, #tpu.memory_space<hbm>>
        %dma_wait3A_32 = tpu.memref_squeeze %dma_wait3A_31 : memref<1x43x96xi32, #tpu.memory_space<hbm>> -> memref<43x96xi32, #tpu.memory_space<hbm>>
        %dma_wait3A_33 = arith.constant 0 : i32
        %dma_wait3A_34 = arith.constant 0 : i32
        %dma_wait3A_35 = tpu.memref_slice %arg5[%arg1, %dma_wait3A_33, %dma_wait3A_34] : memref<16x86x96xi32, #tpu.memory_space<hbm>> -> memref<1x43x96xi32, #tpu.memory_space<hbm>>
        %dma_wait3A_36 = tpu.memref_squeeze %dma_wait3A_35 : memref<1x43x96xi32, #tpu.memory_space<hbm>> -> memref<43x96xi32, #tpu.memory_space<hbm>>
        tpu.wait_dma2 semaphore(%run_scoped3A : memref<!tpu.dma_semaphore, #tpu.memory_space<semaphore_mem>>) src(%dma_wait3A_36 : memref<43x96xi32, #tpu.memory_space<hbm>>) dst(%arg12 : memref<43x96xi32, #tpu.memory_space<vmem>>)
        tpu.yield
      }) : () -> ()
      "tpu.region"() ({
        %run_scoped3A = tpu.sem_alloc : memref<!tpu.dma_semaphore, #tpu.memory_space<semaphore_mem>>
        %dma_start3A = arith.constant 0 : i32
        %dma_start3A_23 = arith.constant 0 : i32
        %dma_start3A_24 = tpu.memref_slice %arg6[%arg1, %dma_start3A, %dma_start3A_23] : memref<16x86x96xi32, #tpu.memory_space<hbm>> -> memref<1x43x96xi32, #tpu.memory_space<hbm>>
        %dma_start3A_25 = tpu.memref_squeeze %dma_start3A_24 : memref<1x43x96xi32, #tpu.memory_space<hbm>> -> memref<43x96xi32, #tpu.memory_space<hbm>>
        %dma_start3A_26 = arith.constant 0 : i32
        %dma_start3A_27 = arith.constant 0 : i32
        %dma_start3A_28 = tpu.memref_slice %arg6[%arg1, %dma_start3A_26, %dma_start3A_27] : memref<16x86x96xi32, #tpu.memory_space<hbm>> -> memref<1x43x96xi32, #tpu.memory_space<hbm>>
        %dma_start3A_29 = tpu.memref_squeeze %dma_start3A_28 : memref<1x43x96xi32, #tpu.memory_space<hbm>> -> memref<43x96xi32, #tpu.memory_space<hbm>>
        tpu.enqueue_dma source(%dma_start3A_29 : memref<43x96xi32, #tpu.memory_space<hbm>>) target(%arg13 : memref<43x96xi32, #tpu.memory_space<vmem>>) target_semaphore(%run_scoped3A : memref<!tpu.dma_semaphore, #tpu.memory_space<semaphore_mem>>)
        %dma_wait3A = arith.constant 0 : i32
        %dma_wait3A_30 = arith.constant 0 : i32
        %dma_wait3A_31 = tpu.memref_slice %arg6[%arg1, %dma_wait3A, %dma_wait3A_30] : memref<16x86x96xi32, #tpu.memory_space<hbm>> -> memref<1x43x96xi32, #tpu.memory_space<hbm>>
        %dma_wait3A_32 = tpu.memref_squeeze %dma_wait3A_31 : memref<1x43x96xi32, #tpu.memory_space<hbm>> -> memref<43x96xi32, #tpu.memory_space<hbm>>
        %dma_wait3A_33 = arith.constant 0 : i32
        %dma_wait3A_34 = arith.constant 0 : i32
        %dma_wait3A_35 = tpu.memref_slice %arg6[%arg1, %dma_wait3A_33, %dma_wait3A_34] : memref<16x86x96xi32, #tpu.memory_space<hbm>> -> memref<1x43x96xi32, #tpu.memory_space<hbm>>
        %dma_wait3A_36 = tpu.memref_squeeze %dma_wait3A_35 : memref<1x43x96xi32, #tpu.memory_space<hbm>> -> memref<43x96xi32, #tpu.memory_space<hbm>>
        tpu.wait_dma2 semaphore(%run_scoped3A : memref<!tpu.dma_semaphore, #tpu.memory_space<semaphore_mem>>) src(%dma_wait3A_36 : memref<43x96xi32, #tpu.memory_space<hbm>>) dst(%arg13 : memref<43x96xi32, #tpu.memory_space<vmem>>)
        tpu.yield
      }) : () -> ()
      %scan3A = arith.constant 0 : i32
      %scan3A_11 = arith.constant 0 : i32
      %scan3A_12 = arith.constant 43 : i32
      %scan3A_13 = arith.addi %scan3A_11, %scan3A_12 : i32
      %scan3A_14 = arith.constant 1 : i32
      scf.for %scan3A_23 = %scan3A_11 to %scan3A_13 step %scan3A_14  : i32 {
        "tpu.region"() ({
          %run_scoped3A = tpu.sem_alloc : memref<!tpu.dma_semaphore, #tpu.memory_space<semaphore_mem>>
          %dma_start3A = arith.constant 0 : i32
          %dma_start3A_24 = tpu.memref_slice %arg12[%scan3A_23, %dma_start3A] : memref<43x96xi32, #tpu.memory_space<vmem>> -> memref<1x96xi32, #tpu.memory_space<vmem>>
          %dma_start3A_25 = tpu.memref_squeeze %dma_start3A_24 : memref<1x96xi32, #tpu.memory_space<vmem>> -> memref<96xi32, #tpu.memory_space<vmem>>
          %dma_start3A_26 = arith.constant 0 : i32
          %dma_start3A_27 = arith.constant 0 : i32
          %dma_start3A_28 = tpu.memref_slice %arg2[%dma_start3A_26, %dma_start3A_27] : memref<10000x144xf32, #tpu.memory_space<hbm>> -> memref<10000x144xf32, #tpu.memory_space<hbm>>
          tpu.enqueue_indirect_dma source(%dma_start3A_28 : memref<10000x144xf32, #tpu.memory_space<hbm>>) target(%arg14 : memref<96x144xf32, #tpu.memory_space<vmem>>) offsets(%dma_start3A_25 : memref<96xi32, #tpu.memory_space<vmem>>) semaphore(%run_scoped3A : memref<!tpu.dma_semaphore, #tpu.memory_space<semaphore_mem>>)
          %dma_wait3A = arith.constant 0 : i32
          %dma_wait3A_29 = tpu.memref_slice %arg12[%scan3A_23, %dma_wait3A] : memref<43x96xi32, #tpu.memory_space<vmem>> -> memref<1x96xi32, #tpu.memory_space<vmem>>
          %dma_wait3A_30 = tpu.memref_squeeze %dma_wait3A_29 : memref<1x96xi32, #tpu.memory_space<vmem>> -> memref<96xi32, #tpu.memory_space<vmem>>
          %dma_wait3A_31 = arith.constant 0 : i32
          %dma_wait3A_32 = arith.constant 0 : i32
          %dma_wait3A_33 = tpu.memref_slice %arg2[%dma_wait3A_31, %dma_wait3A_32] : memref<10000x144xf32, #tpu.memory_space<hbm>> -> memref<10000x144xf32, #tpu.memory_space<hbm>>
          tpu.wait_indirect_dma semaphore(%run_scoped3A : memref<!tpu.dma_semaphore, #tpu.memory_space<semaphore_mem>>) src(%dma_wait3A_33 : memref<10000x144xf32, #tpu.memory_space<hbm>>) dst(%arg14 : memref<96x144xf32, #tpu.memory_space<vmem>>)
          tpu.yield
        }) : () -> ()
        "tpu.region"() ({
          %run_scoped3A = tpu.sem_alloc : memref<!tpu.dma_semaphore, #tpu.memory_space<semaphore_mem>>
          %dma_start3A = arith.constant 0 : i32
          %dma_start3A_24 = tpu.memref_slice %arg13[%scan3A_23, %dma_start3A] : memref<43x96xi32, #tpu.memory_space<vmem>> -> memref<1x96xi32, #tpu.memory_space<vmem>>
          %dma_start3A_25 = tpu.memref_squeeze %dma_start3A_24 : memref<1x96xi32, #tpu.memory_space<vmem>> -> memref<96xi32, #tpu.memory_space<vmem>>
          %dma_start3A_26 = arith.constant 0 : i32
          %dma_start3A_27 = arith.constant 0 : i32
          %dma_start3A_28 = tpu.memref_slice %arg9[%dma_start3A_26, %dma_start3A_27] : memref<10016x144xf32, #tpu.memory_space<vmem_shared>> -> memref<10016x144xf32, #tpu.memory_space<vmem_shared>>
          tpu.enqueue_indirect_dma source(%arg14 : memref<96x144xf32, #tpu.memory_space<vmem>>) target(%dma_start3A_28 : memref<10016x144xf32, #tpu.memory_space<vmem_shared>>) offsets(%dma_start3A_25 : memref<96xi32, #tpu.memory_space<vmem>>) semaphore(%run_scoped3A : memref<!tpu.dma_semaphore, #tpu.memory_space<semaphore_mem>>) {add = true}
          %dma_wait3A = arith.constant 0 : i32
          %dma_wait3A_29 = tpu.memref_slice %arg13[%scan3A_23, %dma_wait3A] : memref<43x96xi32, #tpu.memory_space<vmem>> -> memref<1x96xi32, #tpu.memory_space<vmem>>
          %dma_wait3A_30 = tpu.memref_squeeze %dma_wait3A_29 : memref<1x96xi32, #tpu.memory_space<vmem>> -> memref<96xi32, #tpu.memory_space<vmem>>
          %dma_wait3A_31 = arith.constant 0 : i32
          %dma_wait3A_32 = arith.constant 0 : i32
          %dma_wait3A_33 = tpu.memref_slice %arg9[%dma_wait3A_31, %dma_wait3A_32] : memref<10016x144xf32, #tpu.memory_space<vmem_shared>> -> memref<10016x144xf32, #tpu.memory_space<vmem_shared>>
          tpu.wait_indirect_dma semaphore(%run_scoped3A : memref<!tpu.dma_semaphore, #tpu.memory_space<semaphore_mem>>) src(%arg14 : memref<96x144xf32, #tpu.memory_space<vmem>>) dst(%dma_wait3A_33 : memref<10016x144xf32, #tpu.memory_space<vmem_shared>>)
          tpu.yield
        }) : () -> ()
      }
      %scan3A_15 = arith.constant 43 : i32
      "tpu.region"() ({
        %run_scoped3A = tpu.sem_alloc : memref<!tpu.dma_semaphore, #tpu.memory_space<semaphore_mem>>
        %dma_start3A = arith.constant 43 : i32
        %dma_start3A_23 = arith.constant 0 : i32
        %dma_start3A_24 = tpu.memref_slice %arg5[%arg1, %dma_start3A, %dma_start3A_23] : memref<16x86x96xi32, #tpu.memory_space<hbm>> -> memref<1x43x96xi32, #tpu.memory_space<hbm>>
        %dma_start3A_25 = tpu.memref_squeeze %dma_start3A_24 : memref<1x43x96xi32, #tpu.memory_space<hbm>> -> memref<43x96xi32, #tpu.memory_space<hbm>>
        %dma_start3A_26 = arith.constant 43 : i32
        %dma_start3A_27 = arith.constant 0 : i32
        %dma_start3A_28 = tpu.memref_slice %arg5[%arg1, %dma_start3A_26, %dma_start3A_27] : memref<16x86x96xi32, #tpu.memory_space<hbm>> -> memref<1x43x96xi32, #tpu.memory_space<hbm>>
        %dma_start3A_29 = tpu.memref_squeeze %dma_start3A_28 : memref<1x43x96xi32, #tpu.memory_space<hbm>> -> memref<43x96xi32, #tpu.memory_space<hbm>>
        tpu.enqueue_dma source(%dma_start3A_29 : memref<43x96xi32, #tpu.memory_space<hbm>>) target(%arg12 : memref<43x96xi32, #tpu.memory_space<vmem>>) target_semaphore(%run_scoped3A : memref<!tpu.dma_semaphore, #tpu.memory_space<semaphore_mem>>)
        %dma_wait3A = arith.constant 43 : i32
        %dma_wait3A_30 = arith.constant 0 : i32
        %dma_wait3A_31 = tpu.memref_slice %arg5[%arg1, %dma_wait3A, %dma_wait3A_30] : memref<16x86x96xi32, #tpu.memory_space<hbm>> -> memref<1x43x96xi32, #tpu.memory_space<hbm>>
        %dma_wait3A_32 = tpu.memref_squeeze %dma_wait3A_31 : memref<1x43x96xi32, #tpu.memory_space<hbm>> -> memref<43x96xi32, #tpu.memory_space<hbm>>
        %dma_wait3A_33 = arith.constant 43 : i32
        %dma_wait3A_34 = arith.constant 0 : i32
        %dma_wait3A_35 = tpu.memref_slice %arg5[%arg1, %dma_wait3A_33, %dma_wait3A_34] : memref<16x86x96xi32, #tpu.memory_space<hbm>> -> memref<1x43x96xi32, #tpu.memory_space<hbm>>
        %dma_wait3A_36 = tpu.memref_squeeze %dma_wait3A_35 : memref<1x43x96xi32, #tpu.memory_space<hbm>> -> memref<43x96xi32, #tpu.memory_space<hbm>>
        tpu.wait_dma2 semaphore(%run_scoped3A : memref<!tpu.dma_semaphore, #tpu.memory_space<semaphore_mem>>) src(%dma_wait3A_36 : memref<43x96xi32, #tpu.memory_space<hbm>>) dst(%arg12 : memref<43x96xi32, #tpu.memory_space<vmem>>)
        tpu.yield
      }) : () -> ()
      "tpu.region"() ({
        %run_scoped3A = tpu.sem_alloc : memref<!tpu.dma_semaphore, #tpu.memory_space<semaphore_mem>>
        %dma_start3A = arith.constant 43 : i32
        %dma_start3A_23 = arith.constant 0 : i32
        %dma_start3A_24 = tpu.memref_slice %arg6[%arg1, %dma_start3A, %dma_start3A_23] : memref<16x86x96xi32, #tpu.memory_space<hbm>> -> memref<1x43x96xi32, #tpu.memory_space<hbm>>
        %dma_start3A_25 = tpu.memref_squeeze %dma_start3A_24 : memref<1x43x96xi32, #tpu.memory_space<hbm>> -> memref<43x96xi32, #tpu.memory_space<hbm>>
        %dma_start3A_26 = arith.constant 43 : i32
        %dma_start3A_27 = arith.constant 0 : i32
        %dma_start3A_28 = tpu.memref_slice %arg6[%arg1, %dma_start3A_26, %dma_start3A_27] : memref<16x86x96xi32, #tpu.memory_space<hbm>> -> memref<1x43x96xi32, #tpu.memory_space<hbm>>
        %dma_start3A_29 = tpu.memref_squeeze %dma_start3A_28 : memref<1x43x96xi32, #tpu.memory_space<hbm>> -> memref<43x96xi32, #tpu.memory_space<hbm>>
        tpu.enqueue_dma source(%dma_start3A_29 : memref<43x96xi32, #tpu.memory_space<hbm>>) target(%arg13 : memref<43x96xi32, #tpu.memory_space<vmem>>) target_semaphore(%run_scoped3A : memref<!tpu.dma_semaphore, #tpu.memory_space<semaphore_mem>>)
        %dma_wait3A = arith.constant 43 : i32
        %dma_wait3A_30 = arith.constant 0 : i32
        %dma_wait3A_31 = tpu.memref_slice %arg6[%arg1, %dma_wait3A, %dma_wait3A_30] : memref<16x86x96xi32, #tpu.memory_space<hbm>> -> memref<1x43x96xi32, #tpu.memory_space<hbm>>
        %dma_wait3A_32 = tpu.memref_squeeze %dma_wait3A_31 : memref<1x43x96xi32, #tpu.memory_space<hbm>> -> memref<43x96xi32, #tpu.memory_space<hbm>>
        %dma_wait3A_33 = arith.constant 43 : i32
        %dma_wait3A_34 = arith.constant 0 : i32
        %dma_wait3A_35 = tpu.memref_slice %arg6[%arg1, %dma_wait3A_33, %dma_wait3A_34] : memref<16x86x96xi32, #tpu.memory_space<hbm>> -> memref<1x43x96xi32, #tpu.memory_space<hbm>>
        %dma_wait3A_36 = tpu.memref_squeeze %dma_wait3A_35 : memref<1x43x96xi32, #tpu.memory_space<hbm>> -> memref<43x96xi32, #tpu.memory_space<hbm>>
        tpu.wait_dma2 semaphore(%run_scoped3A : memref<!tpu.dma_semaphore, #tpu.memory_space<semaphore_mem>>) src(%dma_wait3A_36 : memref<43x96xi32, #tpu.memory_space<hbm>>) dst(%arg13 : memref<43x96xi32, #tpu.memory_space<vmem>>)
        tpu.yield
      }) : () -> ()
      %scan3A_16 = arith.constant 0 : i32
      %scan3A_17 = arith.constant 0 : i32
      %scan3A_18 = arith.constant 43 : i32
      %scan3A_19 = arith.addi %scan3A_17, %scan3A_18 : i32
      %scan3A_20 = arith.constant 1 : i32
      scf.for %scan3A_23 = %scan3A_17 to %scan3A_19 step %scan3A_20  : i32 {
        "tpu.region"() ({
          %run_scoped3A = tpu.sem_alloc : memref<!tpu.dma_semaphore, #tpu.memory_space<semaphore_mem>>
          %dma_start3A = arith.constant 0 : i32
          %dma_start3A_24 = tpu.memref_slice %arg12[%scan3A_23, %dma_start3A] : memref<43x96xi32, #tpu.memory_space<vmem>> -> memref<1x96xi32, #tpu.memory_space<vmem>>
          %dma_start3A_25 = tpu.memref_squeeze %dma_start3A_24 : memref<1x96xi32, #tpu.memory_space<vmem>> -> memref<96xi32, #tpu.memory_space<vmem>>
          %dma_start3A_26 = arith.constant 0 : i32
          %dma_start3A_27 = arith.constant 0 : i32
          %dma_start3A_28 = tpu.memref_slice %arg2[%dma_start3A_26, %dma_start3A_27] : memref<10000x144xf32, #tpu.memory_space<hbm>> -> memref<10000x144xf32, #tpu.memory_space<hbm>>
          tpu.enqueue_indirect_dma source(%dma_start3A_28 : memref<10000x144xf32, #tpu.memory_space<hbm>>) target(%arg14 : memref<96x144xf32, #tpu.memory_space<vmem>>) offsets(%dma_start3A_25 : memref<96xi32, #tpu.memory_space<vmem>>) semaphore(%run_scoped3A : memref<!tpu.dma_semaphore, #tpu.memory_space<semaphore_mem>>)
          %dma_wait3A = arith.constant 0 : i32
          %dma_wait3A_29 = tpu.memref_slice %arg12[%scan3A_23, %dma_wait3A] : memref<43x96xi32, #tpu.memory_space<vmem>> -> memref<1x96xi32, #tpu.memory_space<vmem>>
          %dma_wait3A_30 = tpu.memref_squeeze %dma_wait3A_29 : memref<1x96xi32, #tpu.memory_space<vmem>> -> memref<96xi32, #tpu.memory_space<vmem>>
          %dma_wait3A_31 = arith.constant 0 : i32
          %dma_wait3A_32 = arith.constant 0 : i32
          %dma_wait3A_33 = tpu.memref_slice %arg2[%dma_wait3A_31, %dma_wait3A_32] : memref<10000x144xf32, #tpu.memory_space<hbm>> -> memref<10000x144xf32, #tpu.memory_space<hbm>>
          tpu.wait_indirect_dma semaphore(%run_scoped3A : memref<!tpu.dma_semaphore, #tpu.memory_space<semaphore_mem>>) src(%dma_wait3A_33 : memref<10000x144xf32, #tpu.memory_space<hbm>>) dst(%arg14 : memref<96x144xf32, #tpu.memory_space<vmem>>)
          tpu.yield
        }) : () -> ()
        "tpu.region"() ({
          %run_scoped3A = tpu.sem_alloc : memref<!tpu.dma_semaphore, #tpu.memory_space<semaphore_mem>>
          %dma_start3A = arith.constant 0 : i32
          %dma_start3A_24 = tpu.memref_slice %arg13[%scan3A_23, %dma_start3A] : memref<43x96xi32, #tpu.memory_space<vmem>> -> memref<1x96xi32, #tpu.memory_space<vmem>>
          %dma_start3A_25 = tpu.memref_squeeze %dma_start3A_24 : memref<1x96xi32, #tpu.memory_space<vmem>> -> memref<96xi32, #tpu.memory_space<vmem>>
          %dma_start3A_26 = arith.constant 0 : i32
          %dma_start3A_27 = arith.constant 0 : i32
          %dma_start3A_28 = tpu.memref_slice %arg9[%dma_start3A_26, %dma_start3A_27] : memref<10016x144xf32, #tpu.memory_space<vmem_shared>> -> memref<10016x144xf32, #tpu.memory_space<vmem_shared>>
          tpu.enqueue_indirect_dma source(%arg14 : memref<96x144xf32, #tpu.memory_space<vmem>>) target(%dma_start3A_28 : memref<10016x144xf32, #tpu.memory_space<vmem_shared>>) offsets(%dma_start3A_25 : memref<96xi32, #tpu.memory_space<vmem>>) semaphore(%run_scoped3A : memref<!tpu.dma_semaphore, #tpu.memory_space<semaphore_mem>>) {add = true}
          %dma_wait3A = arith.constant 0 : i32
          %dma_wait3A_29 = tpu.memref_slice %arg13[%scan3A_23, %dma_wait3A] : memref<43x96xi32, #tpu.memory_space<vmem>> -> memref<1x96xi32, #tpu.memory_space<vmem>>
          %dma_wait3A_30 = tpu.memref_squeeze %dma_wait3A_29 : memref<1x96xi32, #tpu.memory_space<vmem>> -> memref<96xi32, #tpu.memory_space<vmem>>
          %dma_wait3A_31 = arith.constant 0 : i32
          %dma_wait3A_32 = arith.constant 0 : i32
          %dma_wait3A_33 = tpu.memref_slice %arg9[%dma_wait3A_31, %dma_wait3A_32] : memref<10016x144xf32, #tpu.memory_space<vmem_shared>> -> memref<10016x144xf32, #tpu.memory_space<vmem_shared>>
          tpu.wait_indirect_dma semaphore(%run_scoped3A : memref<!tpu.dma_semaphore, #tpu.memory_space<semaphore_mem>>) src(%arg14 : memref<96x144xf32, #tpu.memory_space<vmem>>) dst(%dma_wait3A_33 : memref<10016x144xf32, #tpu.memory_space<vmem_shared>>)
          tpu.yield
        }) : () -> ()
      }
      %scan3A_21 = arith.constant 43 : i32
      %barrier3A_22 = arith.constant 0 : index
      tpu.barrier barrier_id(%barrier3A_22)
    } else {
    }
    %mul3A_8 = arith.constant 10016 : i32
    %mul3A_9 = arith.muli %arg0, %mul3A_8 : i32
    %add3A_10 = arith.addi %mul3A_9, %mul3A_0 : i32
    "tpu.region"() ({
      %run_scoped3A = tpu.sem_alloc : memref<!tpu.dma_semaphore, #tpu.memory_space<semaphore_mem>>
      %dma_start3A = arith.constant 0 : i32
      %dma_start3A_11 = tpu.memref_slice %arg8[%add3A_10, %dma_start3A] : memref<20032x144xf32, #tpu.memory_space<hbm>> -> memref<626x144xf32, #tpu.memory_space<hbm>>
      %dma_start3A_12 = arith.constant 0 : i32
      %dma_start3A_13 = tpu.memref_slice %arg9[%mul3A_0, %dma_start3A_12] : memref<10016x144xf32, #tpu.memory_space<vmem_shared>> -> memref<626x144xf32, #tpu.memory_space<vmem_shared>>
      tpu.enqueue_dma source(%dma_start3A_13 : memref<626x144xf32, #tpu.memory_space<vmem_shared>>) target(%dma_start3A_11 : memref<626x144xf32, #tpu.memory_space<hbm>>) target_semaphore(%run_scoped3A : memref<!tpu.dma_semaphore, #tpu.memory_space<semaphore_mem>>)
      %dma_wait3A = arith.constant 0 : i32
      %dma_wait3A_14 = tpu.memref_slice %arg8[%add3A_10, %dma_wait3A] : memref<20032x144xf32, #tpu.memory_space<hbm>> -> memref<626x144xf32, #tpu.memory_space<hbm>>
      %dma_wait3A_15 = arith.constant 0 : i32
      %dma_wait3A_16 = tpu.memref_slice %arg9[%mul3A_0, %dma_wait3A_15] : memref<10016x144xf32, #tpu.memory_space<vmem_shared>> -> memref<626x144xf32, #tpu.memory_space<vmem_shared>>
      tpu.wait_dma2 semaphore(%run_scoped3A : memref<!tpu.dma_semaphore, #tpu.memory_space<semaphore_mem>>) src(%dma_wait3A_16 : memref<626x144xf32, #tpu.memory_space<vmem_shared>>) dst(%dma_wait3A_14 : memref<626x144xf32, #tpu.memory_space<hbm>>)
      tpu.yield
    }) : () -> ()
    return
  }
}

#map = affine_map<(d0, d1) -> (0, 0)>
#map1 = affine_map<(d0, d1) -> (0, 0, 0)>
module attributes {stable_mosaic.version = 14 : i64} {
  func.func @sc_body(%arg0: i32, %arg1: i32, %arg2: memref<10000x144xf32, #tpu.memory_space<hbm>>, %arg3: memref<16x124x96xi32, #tpu.memory_space<hbm>>, %arg4: memref<16x124x96xi32, #tpu.memory_space<hbm>>, %arg5: memref<16x86x96xi32, #tpu.memory_space<hbm>>, %arg6: memref<16x86x96xi32, #tpu.memory_space<hbm>>, %arg7: memref<626x144xf32, #tpu.memory_space<hbm>>, %arg8: memref<20032x144xf32, #tpu.memory_space<hbm>>, %arg9: memref<10016x144xf32, #tpu.memory_space<vmem_shared>>, %arg10: memref<62x96xi32, #tpu.memory_space<vmem>>, %arg11: memref<62x96xi32, #tpu.memory_space<vmem>>, %arg12: memref<43x96xi32, #tpu.memory_space<vmem>>, %arg13: memref<43x96xi32, #tpu.memory_space<vmem>>, %arg14: memref<96x144xf32, #tpu.memory_space<vmem>>, %arg15: memref<!tpu.dma_semaphore, #tpu.memory_space<semaphore_mem>>) attributes {dimension_semantics = [#tpu.dimension_semantics<core_parallel>, #tpu.dimension_semantics<subcore_parallel>], iteration_bounds = array<i64: 2, 16>, scalar_prefetch = 0 : i64, scratch_operands = 7 : i64, tpu.core_type = #tpu.core_type<sc_vector_subcore>, window_params = [{transform_indices = #map}, {transform_indices = #map1}, {transform_indices = #map1}, {transform_indices = #map1}, {transform_indices = #map1}, {transform_indices = #map}, {transform_indices = #map}]} {
    %mul3A = arith.constant 626 : i32
    %mul3A_0 = arith.muli %arg1, %mul3A : i32
    %add3A = arith.constant 0 : i32
    %add3A_1 = arith.addi %mul3A_0, %add3A : i32
    "tpu.region"() ({
      %run_scoped3A = tpu.sem_alloc : memref<!tpu.dma_semaphore, #tpu.memory_space<semaphore_mem>>
      %dma_start3A = arith.constant 0 : i32
      %dma_start3A_11 = tpu.memref_slice %arg9[%add3A_1, %dma_start3A] : memref<10016x144xf32, #tpu.memory_space<vmem_shared>> -> memref<626x144xf32, #tpu.memory_space<vmem_shared>>
      tpu.enqueue_dma source(%arg7 : memref<626x144xf32, #tpu.memory_space<hbm>>) target(%dma_start3A_11 : memref<626x144xf32, #tpu.memory_space<vmem_shared>>) target_semaphore(%run_scoped3A : memref<!tpu.dma_semaphore, #tpu.memory_space<semaphore_mem>>)
      %dma_wait3A = arith.constant 0 : i32
      %dma_wait3A_12 = tpu.memref_slice %arg9[%add3A_1, %dma_wait3A] : memref<10016x144xf32, #tpu.memory_space<vmem_shared>> -> memref<626x144xf32, #tpu.memory_space<vmem_shared>>
      tpu.wait_dma2 semaphore(%run_scoped3A : memref<!tpu.dma_semaphore, #tpu.memory_space<semaphore_mem>>) src(%arg7 : memref<626x144xf32, #tpu.memory_space<hbm>>) dst(%dma_wait3A_12 : memref<626x144xf32, #tpu.memory_space<vmem_shared>>)
      tpu.yield
    }) : () -> ()
    %eq3A = arith.constant 0 : i32
    %eq3A_2 = arith.cmpi eq, %arg0, %eq3A : i32
    %convert_element_type3A = arith.extui %eq3A_2 : i1 to i32
    %cond3A = arith.constant 0 : i32
    %cond3A_3 = arith.cmpi ne, %convert_element_type3A, %cond3A : i32
    scf.if %cond3A_3 {
      %barrier3A = arith.constant 0 : index
      tpu.barrier barrier_id(%barrier3A)
      "tpu.region"() ({
        %run_scoped3A = tpu.sem_alloc : memref<!tpu.dma_semaphore, #tpu.memory_space<semaphore_mem>>
        %dma_start3A = arith.constant 0 : i32
        %dma_start3A_23 = arith.constant 0 : i32
        %dma_start3A_24 = tpu.memref_slice %arg3[%arg1, %dma_start3A, %dma_start3A_23] : memref<16x124x96xi32, #tpu.memory_space<hbm>> -> memref<1x62x96xi32, #tpu.memory_space<hbm>>
        %dma_start3A_25 = tpu.memref_squeeze %dma_start3A_24 : memref<1x62x96xi32, #tpu.memory_space<hbm>> -> memref<62x96xi32, #tpu.memory_space<hbm>>
        %dma_start3A_26 = arith.constant 0 : i32
        %dma_start3A_27 = arith.constant 0 : i32
        %dma_start3A_28 = tpu.memref_slice %arg3[%arg1, %dma_start3A_26, %dma_start3A_27] : memref<16x124x96xi32, #tpu.memory_space<hbm>> -> memref<1x62x96xi32, #tpu.memory_space<hbm>>
        %dma_start3A_29 = tpu.memref_squeeze %dma_start3A_28 : memref<1x62x96xi32, #tpu.memory_space<hbm>> -> memref<62x96xi32, #tpu.memory_space<hbm>>
        tpu.enqueue_dma source(%dma_start3A_29 : memref<62x96xi32, #tpu.memory_space<hbm>>) target(%arg10 : memref<62x96xi32, #tpu.memory_space<vmem>>) target_semaphore(%run_scoped3A : memref<!tpu.dma_semaphore, #tpu.memory_space<semaphore_mem>>)
        %dma_wait3A = arith.constant 0 : i32
        %dma_wait3A_30 = arith.constant 0 : i32
        %dma_wait3A_31 = tpu.memref_slice %arg3[%arg1, %dma_wait3A, %dma_wait3A_30] : memref<16x124x96xi32, #tpu.memory_space<hbm>> -> memref<1x62x96xi32, #tpu.memory_space<hbm>>
        %dma_wait3A_32 = tpu.memref_squeeze %dma_wait3A_31 : memref<1x62x96xi32, #tpu.memory_space<hbm>> -> memref<62x96xi32, #tpu.memory_space<hbm>>
        %dma_wait3A_33 = arith.constant 0 : i32
        %dma_wait3A_34 = arith.constant 0 : i32
        %dma_wait3A_35 = tpu.memref_slice %arg3[%arg1, %dma_wait3A_33, %dma_wait3A_34] : memref<16x124x96xi32, #tpu.memory_space<hbm>> -> memref<1x62x96xi32, #tpu.memory_space<hbm>>
        %dma_wait3A_36 = tpu.memref_squeeze %dma_wait3A_35 : memref<1x62x96xi32, #tpu.memory_space<hbm>> -> memref<62x96xi32, #tpu.memory_space<hbm>>
        tpu.wait_dma2 semaphore(%run_scoped3A : memref<!tpu.dma_semaphore, #tpu.memory_space<semaphore_mem>>) src(%dma_wait3A_36 : memref<62x96xi32, #tpu.memory_space<hbm>>) dst(%arg10 : memref<62x96xi32, #tpu.memory_space<vmem>>)
        tpu.yield
      }) : () -> ()
      "tpu.region"() ({
        %run_scoped3A = tpu.sem_alloc : memref<!tpu.dma_semaphore, #tpu.memory_space<semaphore_mem>>
        %dma_start3A = arith.constant 0 : i32
        %dma_start3A_23 = arith.constant 0 : i32
        %dma_start3A_24 = tpu.memref_slice %arg4[%arg1, %dma_start3A, %dma_start3A_23] : memref<16x124x96xi32, #tpu.memory_space<hbm>> -> memref<1x62x96xi32, #tpu.memory_space<hbm>>
        %dma_start3A_25 = tpu.memref_squeeze %dma_start3A_24 : memref<1x62x96xi32, #tpu.memory_space<hbm>> -> memref<62x96xi32, #tpu.memory_space<hbm>>
        %dma_start3A_26 = arith.constant 0 : i32
        %dma_start3A_27 = arith.constant 0 : i32
        %dma_start3A_28 = tpu.memref_slice %arg4[%arg1, %dma_start3A_26, %dma_start3A_27] : memref<16x124x96xi32, #tpu.memory_space<hbm>> -> memref<1x62x96xi32, #tpu.memory_space<hbm>>
        %dma_start3A_29 = tpu.memref_squeeze %dma_start3A_28 : memref<1x62x96xi32, #tpu.memory_space<hbm>> -> memref<62x96xi32, #tpu.memory_space<hbm>>
        tpu.enqueue_dma source(%dma_start3A_29 : memref<62x96xi32, #tpu.memory_space<hbm>>) target(%arg11 : memref<62x96xi32, #tpu.memory_space<vmem>>) target_semaphore(%run_scoped3A : memref<!tpu.dma_semaphore, #tpu.memory_space<semaphore_mem>>)
        %dma_wait3A = arith.constant 0 : i32
        %dma_wait3A_30 = arith.constant 0 : i32
        %dma_wait3A_31 = tpu.memref_slice %arg4[%arg1, %dma_wait3A, %dma_wait3A_30] : memref<16x124x96xi32, #tpu.memory_space<hbm>> -> memref<1x62x96xi32, #tpu.memory_space<hbm>>
        %dma_wait3A_32 = tpu.memref_squeeze %dma_wait3A_31 : memref<1x62x96xi32, #tpu.memory_space<hbm>> -> memref<62x96xi32, #tpu.memory_space<hbm>>
        %dma_wait3A_33 = arith.constant 0 : i32
        %dma_wait3A_34 = arith.constant 0 : i32
        %dma_wait3A_35 = tpu.memref_slice %arg4[%arg1, %dma_wait3A_33, %dma_wait3A_34] : memref<16x124x96xi32, #tpu.memory_space<hbm>> -> memref<1x62x96xi32, #tpu.memory_space<hbm>>
        %dma_wait3A_36 = tpu.memref_squeeze %dma_wait3A_35 : memref<1x62x96xi32, #tpu.memory_space<hbm>> -> memref<62x96xi32, #tpu.memory_space<hbm>>
        tpu.wait_dma2 semaphore(%run_scoped3A : memref<!tpu.dma_semaphore, #tpu.memory_space<semaphore_mem>>) src(%dma_wait3A_36 : memref<62x96xi32, #tpu.memory_space<hbm>>) dst(%arg11 : memref<62x96xi32, #tpu.memory_space<vmem>>)
        tpu.yield
      }) : () -> ()
      %scan3A = arith.constant 0 : i32
      %scan3A_11 = arith.constant 0 : i32
      %scan3A_12 = arith.constant 62 : i32
      %scan3A_13 = arith.addi %scan3A_11, %scan3A_12 : i32
      %scan3A_14 = arith.constant 1 : i32
      scf.for %scan3A_23 = %scan3A_11 to %scan3A_13 step %scan3A_14  : i32 {
        "tpu.region"() ({
          %run_scoped3A = tpu.sem_alloc : memref<!tpu.dma_semaphore, #tpu.memory_space<semaphore_mem>>
          %dma_start3A = arith.constant 0 : i32
          %dma_start3A_24 = arith.constant 0 : i32
          %dma_start3A_25 = tpu.memref_slice %arg14[%dma_start3A, %dma_start3A_24] : memref<96x144xf32, #tpu.memory_space<vmem>> -> memref<96x144xf32, #tpu.memory_space<vmem>>
          %dma_start3A_26 = arith.constant 0 : i32
          %dma_start3A_27 = tpu.memref_slice %arg10[%scan3A_23, %dma_start3A_26] : memref<62x96xi32, #tpu.memory_space<vmem>> -> memref<1x96xi32, #tpu.memory_space<vmem>>
          %dma_start3A_28 = tpu.memref_squeeze %dma_start3A_27 : memref<1x96xi32, #tpu.memory_space<vmem>> -> memref<96xi32, #tpu.memory_space<vmem>>
          %dma_start3A_29 = arith.constant 0 : i32
          %dma_start3A_30 = arith.constant 0 : i32
          %dma_start3A_31 = tpu.memref_slice %arg2[%dma_start3A_29, %dma_start3A_30] : memref<10000x144xf32, #tpu.memory_space<hbm>> -> memref<10000x144xf32, #tpu.memory_space<hbm>>
          tpu.enqueue_indirect_dma source(%dma_start3A_31 : memref<10000x144xf32, #tpu.memory_space<hbm>>) target(%dma_start3A_25 : memref<96x144xf32, #tpu.memory_space<vmem>>) offsets(%dma_start3A_28 : memref<96xi32, #tpu.memory_space<vmem>>) semaphore(%run_scoped3A : memref<!tpu.dma_semaphore, #tpu.memory_space<semaphore_mem>>)
          %dma_wait3A = arith.constant 0 : i32
          %dma_wait3A_32 = arith.constant 0 : i32
          %dma_wait3A_33 = tpu.memref_slice %arg14[%dma_wait3A, %dma_wait3A_32] : memref<96x144xf32, #tpu.memory_space<vmem>> -> memref<96x144xf32, #tpu.memory_space<vmem>>
          %dma_wait3A_34 = arith.constant 0 : i32
          %dma_wait3A_35 = tpu.memref_slice %arg10[%scan3A_23, %dma_wait3A_34] : memref<62x96xi32, #tpu.memory_space<vmem>> -> memref<1x96xi32, #tpu.memory_space<vmem>>
          %dma_wait3A_36 = tpu.memref_squeeze %dma_wait3A_35 : memref<1x96xi32, #tpu.memory_space<vmem>> -> memref<96xi32, #tpu.memory_space<vmem>>
          %dma_wait3A_37 = arith.constant 0 : i32
          %dma_wait3A_38 = arith.constant 0 : i32
          %dma_wait3A_39 = tpu.memref_slice %arg2[%dma_wait3A_37, %dma_wait3A_38] : memref<10000x144xf32, #tpu.memory_space<hbm>> -> memref<10000x144xf32, #tpu.memory_space<hbm>>
          tpu.wait_indirect_dma semaphore(%run_scoped3A : memref<!tpu.dma_semaphore, #tpu.memory_space<semaphore_mem>>) src(%dma_wait3A_39 : memref<10000x144xf32, #tpu.memory_space<hbm>>) dst(%dma_wait3A_33 : memref<96x144xf32, #tpu.memory_space<vmem>>)
          tpu.yield
        }) : () -> ()
        "tpu.region"() ({
          %run_scoped3A = tpu.sem_alloc : memref<!tpu.dma_semaphore, #tpu.memory_space<semaphore_mem>>
          %dma_start3A = arith.constant 0 : i32
          %dma_start3A_24 = arith.constant 0 : i32
          %dma_start3A_25 = tpu.memref_slice %arg14[%dma_start3A, %dma_start3A_24] : memref<96x144xf32, #tpu.memory_space<vmem>> -> memref<96x144xf32, #tpu.memory_space<vmem>>
          %dma_start3A_26 = arith.constant 0 : i32
          %dma_start3A_27 = tpu.memref_slice %arg11[%scan3A_23, %dma_start3A_26] : memref<62x96xi32, #tpu.memory_space<vmem>> -> memref<1x96xi32, #tpu.memory_space<vmem>>
          %dma_start3A_28 = tpu.memref_squeeze %dma_start3A_27 : memref<1x96xi32, #tpu.memory_space<vmem>> -> memref<96xi32, #tpu.memory_space<vmem>>
          %dma_start3A_29 = arith.constant 0 : i32
          %dma_start3A_30 = arith.constant 0 : i32
          %dma_start3A_31 = tpu.memref_slice %arg9[%dma_start3A_29, %dma_start3A_30] : memref<10016x144xf32, #tpu.memory_space<vmem_shared>> -> memref<10016x144xf32, #tpu.memory_space<vmem_shared>>
          tpu.enqueue_indirect_dma source(%dma_start3A_25 : memref<96x144xf32, #tpu.memory_space<vmem>>) target(%dma_start3A_31 : memref<10016x144xf32, #tpu.memory_space<vmem_shared>>) offsets(%dma_start3A_28 : memref<96xi32, #tpu.memory_space<vmem>>) semaphore(%run_scoped3A : memref<!tpu.dma_semaphore, #tpu.memory_space<semaphore_mem>>) {add = true}
          %dma_wait3A = arith.constant 0 : i32
          %dma_wait3A_32 = arith.constant 0 : i32
          %dma_wait3A_33 = tpu.memref_slice %arg14[%dma_wait3A, %dma_wait3A_32] : memref<96x144xf32, #tpu.memory_space<vmem>> -> memref<96x144xf32, #tpu.memory_space<vmem>>
          %dma_wait3A_34 = arith.constant 0 : i32
          %dma_wait3A_35 = tpu.memref_slice %arg11[%scan3A_23, %dma_wait3A_34] : memref<62x96xi32, #tpu.memory_space<vmem>> -> memref<1x96xi32, #tpu.memory_space<vmem>>
          %dma_wait3A_36 = tpu.memref_squeeze %dma_wait3A_35 : memref<1x96xi32, #tpu.memory_space<vmem>> -> memref<96xi32, #tpu.memory_space<vmem>>
          %dma_wait3A_37 = arith.constant 0 : i32
          %dma_wait3A_38 = arith.constant 0 : i32
          %dma_wait3A_39 = tpu.memref_slice %arg9[%dma_wait3A_37, %dma_wait3A_38] : memref<10016x144xf32, #tpu.memory_space<vmem_shared>> -> memref<10016x144xf32, #tpu.memory_space<vmem_shared>>
          tpu.wait_indirect_dma semaphore(%run_scoped3A : memref<!tpu.dma_semaphore, #tpu.memory_space<semaphore_mem>>) src(%dma_wait3A_33 : memref<96x144xf32, #tpu.memory_space<vmem>>) dst(%dma_wait3A_39 : memref<10016x144xf32, #tpu.memory_space<vmem_shared>>)
          tpu.yield
        }) : () -> ()
      }
      %scan3A_15 = arith.constant 62 : i32
      "tpu.region"() ({
        %run_scoped3A = tpu.sem_alloc : memref<!tpu.dma_semaphore, #tpu.memory_space<semaphore_mem>>
        %dma_start3A = arith.constant 62 : i32
        %dma_start3A_23 = arith.constant 0 : i32
        %dma_start3A_24 = tpu.memref_slice %arg3[%arg1, %dma_start3A, %dma_start3A_23] : memref<16x124x96xi32, #tpu.memory_space<hbm>> -> memref<1x62x96xi32, #tpu.memory_space<hbm>>
        %dma_start3A_25 = tpu.memref_squeeze %dma_start3A_24 : memref<1x62x96xi32, #tpu.memory_space<hbm>> -> memref<62x96xi32, #tpu.memory_space<hbm>>
        %dma_start3A_26 = arith.constant 62 : i32
        %dma_start3A_27 = arith.constant 0 : i32
        %dma_start3A_28 = tpu.memref_slice %arg3[%arg1, %dma_start3A_26, %dma_start3A_27] : memref<16x124x96xi32, #tpu.memory_space<hbm>> -> memref<1x62x96xi32, #tpu.memory_space<hbm>>
        %dma_start3A_29 = tpu.memref_squeeze %dma_start3A_28 : memref<1x62x96xi32, #tpu.memory_space<hbm>> -> memref<62x96xi32, #tpu.memory_space<hbm>>
        tpu.enqueue_dma source(%dma_start3A_29 : memref<62x96xi32, #tpu.memory_space<hbm>>) target(%arg10 : memref<62x96xi32, #tpu.memory_space<vmem>>) target_semaphore(%run_scoped3A : memref<!tpu.dma_semaphore, #tpu.memory_space<semaphore_mem>>)
        %dma_wait3A = arith.constant 62 : i32
        %dma_wait3A_30 = arith.constant 0 : i32
        %dma_wait3A_31 = tpu.memref_slice %arg3[%arg1, %dma_wait3A, %dma_wait3A_30] : memref<16x124x96xi32, #tpu.memory_space<hbm>> -> memref<1x62x96xi32, #tpu.memory_space<hbm>>
        %dma_wait3A_32 = tpu.memref_squeeze %dma_wait3A_31 : memref<1x62x96xi32, #tpu.memory_space<hbm>> -> memref<62x96xi32, #tpu.memory_space<hbm>>
        %dma_wait3A_33 = arith.constant 62 : i32
        %dma_wait3A_34 = arith.constant 0 : i32
        %dma_wait3A_35 = tpu.memref_slice %arg3[%arg1, %dma_wait3A_33, %dma_wait3A_34] : memref<16x124x96xi32, #tpu.memory_space<hbm>> -> memref<1x62x96xi32, #tpu.memory_space<hbm>>
        %dma_wait3A_36 = tpu.memref_squeeze %dma_wait3A_35 : memref<1x62x96xi32, #tpu.memory_space<hbm>> -> memref<62x96xi32, #tpu.memory_space<hbm>>
        tpu.wait_dma2 semaphore(%run_scoped3A : memref<!tpu.dma_semaphore, #tpu.memory_space<semaphore_mem>>) src(%dma_wait3A_36 : memref<62x96xi32, #tpu.memory_space<hbm>>) dst(%arg10 : memref<62x96xi32, #tpu.memory_space<vmem>>)
        tpu.yield
      }) : () -> ()
      "tpu.region"() ({
        %run_scoped3A = tpu.sem_alloc : memref<!tpu.dma_semaphore, #tpu.memory_space<semaphore_mem>>
        %dma_start3A = arith.constant 62 : i32
        %dma_start3A_23 = arith.constant 0 : i32
        %dma_start3A_24 = tpu.memref_slice %arg4[%arg1, %dma_start3A, %dma_start3A_23] : memref<16x124x96xi32, #tpu.memory_space<hbm>> -> memref<1x62x96xi32, #tpu.memory_space<hbm>>
        %dma_start3A_25 = tpu.memref_squeeze %dma_start3A_24 : memref<1x62x96xi32, #tpu.memory_space<hbm>> -> memref<62x96xi32, #tpu.memory_space<hbm>>
        %dma_start3A_26 = arith.constant 62 : i32
        %dma_start3A_27 = arith.constant 0 : i32
        %dma_start3A_28 = tpu.memref_slice %arg4[%arg1, %dma_start3A_26, %dma_start3A_27] : memref<16x124x96xi32, #tpu.memory_space<hbm>> -> memref<1x62x96xi32, #tpu.memory_space<hbm>>
        %dma_start3A_29 = tpu.memref_squeeze %dma_start3A_28 : memref<1x62x96xi32, #tpu.memory_space<hbm>> -> memref<62x96xi32, #tpu.memory_space<hbm>>
        tpu.enqueue_dma source(%dma_start3A_29 : memref<62x96xi32, #tpu.memory_space<hbm>>) target(%arg11 : memref<62x96xi32, #tpu.memory_space<vmem>>) target_semaphore(%run_scoped3A : memref<!tpu.dma_semaphore, #tpu.memory_space<semaphore_mem>>)
        %dma_wait3A = arith.constant 62 : i32
        %dma_wait3A_30 = arith.constant 0 : i32
        %dma_wait3A_31 = tpu.memref_slice %arg4[%arg1, %dma_wait3A, %dma_wait3A_30] : memref<16x124x96xi32, #tpu.memory_space<hbm>> -> memref<1x62x96xi32, #tpu.memory_space<hbm>>
        %dma_wait3A_32 = tpu.memref_squeeze %dma_wait3A_31 : memref<1x62x96xi32, #tpu.memory_space<hbm>> -> memref<62x96xi32, #tpu.memory_space<hbm>>
        %dma_wait3A_33 = arith.constant 62 : i32
        %dma_wait3A_34 = arith.constant 0 : i32
        %dma_wait3A_35 = tpu.memref_slice %arg4[%arg1, %dma_wait3A_33, %dma_wait3A_34] : memref<16x124x96xi32, #tpu.memory_space<hbm>> -> memref<1x62x96xi32, #tpu.memory_space<hbm>>
        %dma_wait3A_36 = tpu.memref_squeeze %dma_wait3A_35 : memref<1x62x96xi32, #tpu.memory_space<hbm>> -> memref<62x96xi32, #tpu.memory_space<hbm>>
        tpu.wait_dma2 semaphore(%run_scoped3A : memref<!tpu.dma_semaphore, #tpu.memory_space<semaphore_mem>>) src(%dma_wait3A_36 : memref<62x96xi32, #tpu.memory_space<hbm>>) dst(%arg11 : memref<62x96xi32, #tpu.memory_space<vmem>>)
        tpu.yield
      }) : () -> ()
      %scan3A_16 = arith.constant 0 : i32
      %scan3A_17 = arith.constant 0 : i32
      %scan3A_18 = arith.constant 62 : i32
      %scan3A_19 = arith.addi %scan3A_17, %scan3A_18 : i32
      %scan3A_20 = arith.constant 1 : i32
      scf.for %scan3A_23 = %scan3A_17 to %scan3A_19 step %scan3A_20  : i32 {
        "tpu.region"() ({
          %run_scoped3A = tpu.sem_alloc : memref<!tpu.dma_semaphore, #tpu.memory_space<semaphore_mem>>
          %dma_start3A = arith.constant 0 : i32
          %dma_start3A_24 = arith.constant 0 : i32
          %dma_start3A_25 = tpu.memref_slice %arg14[%dma_start3A, %dma_start3A_24] : memref<96x144xf32, #tpu.memory_space<vmem>> -> memref<96x144xf32, #tpu.memory_space<vmem>>
          %dma_start3A_26 = arith.constant 0 : i32
          %dma_start3A_27 = tpu.memref_slice %arg10[%scan3A_23, %dma_start3A_26] : memref<62x96xi32, #tpu.memory_space<vmem>> -> memref<1x96xi32, #tpu.memory_space<vmem>>
          %dma_start3A_28 = tpu.memref_squeeze %dma_start3A_27 : memref<1x96xi32, #tpu.memory_space<vmem>> -> memref<96xi32, #tpu.memory_space<vmem>>
          %dma_start3A_29 = arith.constant 0 : i32
          %dma_start3A_30 = arith.constant 0 : i32
          %dma_start3A_31 = tpu.memref_slice %arg2[%dma_start3A_29, %dma_start3A_30] : memref<10000x144xf32, #tpu.memory_space<hbm>> -> memref<10000x144xf32, #tpu.memory_space<hbm>>
          tpu.enqueue_indirect_dma source(%dma_start3A_31 : memref<10000x144xf32, #tpu.memory_space<hbm>>) target(%dma_start3A_25 : memref<96x144xf32, #tpu.memory_space<vmem>>) offsets(%dma_start3A_28 : memref<96xi32, #tpu.memory_space<vmem>>) semaphore(%run_scoped3A : memref<!tpu.dma_semaphore, #tpu.memory_space<semaphore_mem>>)
          %dma_wait3A = arith.constant 0 : i32
          %dma_wait3A_32 = arith.constant 0 : i32
          %dma_wait3A_33 = tpu.memref_slice %arg14[%dma_wait3A, %dma_wait3A_32] : memref<96x144xf32, #tpu.memory_space<vmem>> -> memref<96x144xf32, #tpu.memory_space<vmem>>
          %dma_wait3A_34 = arith.constant 0 : i32
          %dma_wait3A_35 = tpu.memref_slice %arg10[%scan3A_23, %dma_wait3A_34] : memref<62x96xi32, #tpu.memory_space<vmem>> -> memref<1x96xi32, #tpu.memory_space<vmem>>
          %dma_wait3A_36 = tpu.memref_squeeze %dma_wait3A_35 : memref<1x96xi32, #tpu.memory_space<vmem>> -> memref<96xi32, #tpu.memory_space<vmem>>
          %dma_wait3A_37 = arith.constant 0 : i32
          %dma_wait3A_38 = arith.constant 0 : i32
          %dma_wait3A_39 = tpu.memref_slice %arg2[%dma_wait3A_37, %dma_wait3A_38] : memref<10000x144xf32, #tpu.memory_space<hbm>> -> memref<10000x144xf32, #tpu.memory_space<hbm>>
          tpu.wait_indirect_dma semaphore(%run_scoped3A : memref<!tpu.dma_semaphore, #tpu.memory_space<semaphore_mem>>) src(%dma_wait3A_39 : memref<10000x144xf32, #tpu.memory_space<hbm>>) dst(%dma_wait3A_33 : memref<96x144xf32, #tpu.memory_space<vmem>>)
          tpu.yield
        }) : () -> ()
        "tpu.region"() ({
          %run_scoped3A = tpu.sem_alloc : memref<!tpu.dma_semaphore, #tpu.memory_space<semaphore_mem>>
          %dma_start3A = arith.constant 0 : i32
          %dma_start3A_24 = arith.constant 0 : i32
          %dma_start3A_25 = tpu.memref_slice %arg14[%dma_start3A, %dma_start3A_24] : memref<96x144xf32, #tpu.memory_space<vmem>> -> memref<96x144xf32, #tpu.memory_space<vmem>>
          %dma_start3A_26 = arith.constant 0 : i32
          %dma_start3A_27 = tpu.memref_slice %arg11[%scan3A_23, %dma_start3A_26] : memref<62x96xi32, #tpu.memory_space<vmem>> -> memref<1x96xi32, #tpu.memory_space<vmem>>
          %dma_start3A_28 = tpu.memref_squeeze %dma_start3A_27 : memref<1x96xi32, #tpu.memory_space<vmem>> -> memref<96xi32, #tpu.memory_space<vmem>>
          %dma_start3A_29 = arith.constant 0 : i32
          %dma_start3A_30 = arith.constant 0 : i32
          %dma_start3A_31 = tpu.memref_slice %arg9[%dma_start3A_29, %dma_start3A_30] : memref<10016x144xf32, #tpu.memory_space<vmem_shared>> -> memref<10016x144xf32, #tpu.memory_space<vmem_shared>>
          tpu.enqueue_indirect_dma source(%dma_start3A_25 : memref<96x144xf32, #tpu.memory_space<vmem>>) target(%dma_start3A_31 : memref<10016x144xf32, #tpu.memory_space<vmem_shared>>) offsets(%dma_start3A_28 : memref<96xi32, #tpu.memory_space<vmem>>) semaphore(%run_scoped3A : memref<!tpu.dma_semaphore, #tpu.memory_space<semaphore_mem>>) {add = true}
          %dma_wait3A = arith.constant 0 : i32
          %dma_wait3A_32 = arith.constant 0 : i32
          %dma_wait3A_33 = tpu.memref_slice %arg14[%dma_wait3A, %dma_wait3A_32] : memref<96x144xf32, #tpu.memory_space<vmem>> -> memref<96x144xf32, #tpu.memory_space<vmem>>
          %dma_wait3A_34 = arith.constant 0 : i32
          %dma_wait3A_35 = tpu.memref_slice %arg11[%scan3A_23, %dma_wait3A_34] : memref<62x96xi32, #tpu.memory_space<vmem>> -> memref<1x96xi32, #tpu.memory_space<vmem>>
          %dma_wait3A_36 = tpu.memref_squeeze %dma_wait3A_35 : memref<1x96xi32, #tpu.memory_space<vmem>> -> memref<96xi32, #tpu.memory_space<vmem>>
          %dma_wait3A_37 = arith.constant 0 : i32
          %dma_wait3A_38 = arith.constant 0 : i32
          %dma_wait3A_39 = tpu.memref_slice %arg9[%dma_wait3A_37, %dma_wait3A_38] : memref<10016x144xf32, #tpu.memory_space<vmem_shared>> -> memref<10016x144xf32, #tpu.memory_space<vmem_shared>>
          tpu.wait_indirect_dma semaphore(%run_scoped3A : memref<!tpu.dma_semaphore, #tpu.memory_space<semaphore_mem>>) src(%dma_wait3A_33 : memref<96x144xf32, #tpu.memory_space<vmem>>) dst(%dma_wait3A_39 : memref<10016x144xf32, #tpu.memory_space<vmem_shared>>)
          tpu.yield
        }) : () -> ()
      }
      %scan3A_21 = arith.constant 62 : i32
      %barrier3A_22 = arith.constant 0 : index
      tpu.barrier barrier_id(%barrier3A_22)
    } else {
    }
    %ne3A = arith.constant 0 : i32
    %ne3A_4 = arith.cmpi ne, %arg0, %ne3A : i32
    %convert_element_type3A_5 = arith.extui %ne3A_4 : i1 to i32
    %cond3A_6 = arith.constant 0 : i32
    %cond3A_7 = arith.cmpi ne, %convert_element_type3A_5, %cond3A_6 : i32
    scf.if %cond3A_7 {
      %barrier3A = arith.constant 0 : index
      tpu.barrier barrier_id(%barrier3A)
      "tpu.region"() ({
        %run_scoped3A = tpu.sem_alloc : memref<!tpu.dma_semaphore, #tpu.memory_space<semaphore_mem>>
        %dma_start3A = arith.constant 0 : i32
        %dma_start3A_23 = arith.constant 0 : i32
        %dma_start3A_24 = tpu.memref_slice %arg5[%arg1, %dma_start3A, %dma_start3A_23] : memref<16x86x96xi32, #tpu.memory_space<hbm>> -> memref<1x43x96xi32, #tpu.memory_space<hbm>>
        %dma_start3A_25 = tpu.memref_squeeze %dma_start3A_24 : memref<1x43x96xi32, #tpu.memory_space<hbm>> -> memref<43x96xi32, #tpu.memory_space<hbm>>
        %dma_start3A_26 = arith.constant 0 : i32
        %dma_start3A_27 = arith.constant 0 : i32
        %dma_start3A_28 = tpu.memref_slice %arg5[%arg1, %dma_start3A_26, %dma_start3A_27] : memref<16x86x96xi32, #tpu.memory_space<hbm>> -> memref<1x43x96xi32, #tpu.memory_space<hbm>>
        %dma_start3A_29 = tpu.memref_squeeze %dma_start3A_28 : memref<1x43x96xi32, #tpu.memory_space<hbm>> -> memref<43x96xi32, #tpu.memory_space<hbm>>
        tpu.enqueue_dma source(%dma_start3A_29 : memref<43x96xi32, #tpu.memory_space<hbm>>) target(%arg12 : memref<43x96xi32, #tpu.memory_space<vmem>>) target_semaphore(%run_scoped3A : memref<!tpu.dma_semaphore, #tpu.memory_space<semaphore_mem>>)
        %dma_wait3A = arith.constant 0 : i32
        %dma_wait3A_30 = arith.constant 0 : i32
        %dma_wait3A_31 = tpu.memref_slice %arg5[%arg1, %dma_wait3A, %dma_wait3A_30] : memref<16x86x96xi32, #tpu.memory_space<hbm>> -> memref<1x43x96xi32, #tpu.memory_space<hbm>>
        %dma_wait3A_32 = tpu.memref_squeeze %dma_wait3A_31 : memref<1x43x96xi32, #tpu.memory_space<hbm>> -> memref<43x96xi32, #tpu.memory_space<hbm>>
        %dma_wait3A_33 = arith.constant 0 : i32
        %dma_wait3A_34 = arith.constant 0 : i32
        %dma_wait3A_35 = tpu.memref_slice %arg5[%arg1, %dma_wait3A_33, %dma_wait3A_34] : memref<16x86x96xi32, #tpu.memory_space<hbm>> -> memref<1x43x96xi32, #tpu.memory_space<hbm>>
        %dma_wait3A_36 = tpu.memref_squeeze %dma_wait3A_35 : memref<1x43x96xi32, #tpu.memory_space<hbm>> -> memref<43x96xi32, #tpu.memory_space<hbm>>
        tpu.wait_dma2 semaphore(%run_scoped3A : memref<!tpu.dma_semaphore, #tpu.memory_space<semaphore_mem>>) src(%dma_wait3A_36 : memref<43x96xi32, #tpu.memory_space<hbm>>) dst(%arg12 : memref<43x96xi32, #tpu.memory_space<vmem>>)
        tpu.yield
      }) : () -> ()
      "tpu.region"() ({
        %run_scoped3A = tpu.sem_alloc : memref<!tpu.dma_semaphore, #tpu.memory_space<semaphore_mem>>
        %dma_start3A = arith.constant 0 : i32
        %dma_start3A_23 = arith.constant 0 : i32
        %dma_start3A_24 = tpu.memref_slice %arg6[%arg1, %dma_start3A, %dma_start3A_23] : memref<16x86x96xi32, #tpu.memory_space<hbm>> -> memref<1x43x96xi32, #tpu.memory_space<hbm>>
        %dma_start3A_25 = tpu.memref_squeeze %dma_start3A_24 : memref<1x43x96xi32, #tpu.memory_space<hbm>> -> memref<43x96xi32, #tpu.memory_space<hbm>>
        %dma_start3A_26 = arith.constant 0 : i32
        %dma_start3A_27 = arith.constant 0 : i32
        %dma_start3A_28 = tpu.memref_slice %arg6[%arg1, %dma_start3A_26, %dma_start3A_27] : memref<16x86x96xi32, #tpu.memory_space<hbm>> -> memref<1x43x96xi32, #tpu.memory_space<hbm>>
        %dma_start3A_29 = tpu.memref_squeeze %dma_start3A_28 : memref<1x43x96xi32, #tpu.memory_space<hbm>> -> memref<43x96xi32, #tpu.memory_space<hbm>>
        tpu.enqueue_dma source(%dma_start3A_29 : memref<43x96xi32, #tpu.memory_space<hbm>>) target(%arg13 : memref<43x96xi32, #tpu.memory_space<vmem>>) target_semaphore(%run_scoped3A : memref<!tpu.dma_semaphore, #tpu.memory_space<semaphore_mem>>)
        %dma_wait3A = arith.constant 0 : i32
        %dma_wait3A_30 = arith.constant 0 : i32
        %dma_wait3A_31 = tpu.memref_slice %arg6[%arg1, %dma_wait3A, %dma_wait3A_30] : memref<16x86x96xi32, #tpu.memory_space<hbm>> -> memref<1x43x96xi32, #tpu.memory_space<hbm>>
        %dma_wait3A_32 = tpu.memref_squeeze %dma_wait3A_31 : memref<1x43x96xi32, #tpu.memory_space<hbm>> -> memref<43x96xi32, #tpu.memory_space<hbm>>
        %dma_wait3A_33 = arith.constant 0 : i32
        %dma_wait3A_34 = arith.constant 0 : i32
        %dma_wait3A_35 = tpu.memref_slice %arg6[%arg1, %dma_wait3A_33, %dma_wait3A_34] : memref<16x86x96xi32, #tpu.memory_space<hbm>> -> memref<1x43x96xi32, #tpu.memory_space<hbm>>
        %dma_wait3A_36 = tpu.memref_squeeze %dma_wait3A_35 : memref<1x43x96xi32, #tpu.memory_space<hbm>> -> memref<43x96xi32, #tpu.memory_space<hbm>>
        tpu.wait_dma2 semaphore(%run_scoped3A : memref<!tpu.dma_semaphore, #tpu.memory_space<semaphore_mem>>) src(%dma_wait3A_36 : memref<43x96xi32, #tpu.memory_space<hbm>>) dst(%arg13 : memref<43x96xi32, #tpu.memory_space<vmem>>)
        tpu.yield
      }) : () -> ()
      %scan3A = arith.constant 0 : i32
      %scan3A_11 = arith.constant 0 : i32
      %scan3A_12 = arith.constant 43 : i32
      %scan3A_13 = arith.addi %scan3A_11, %scan3A_12 : i32
      %scan3A_14 = arith.constant 1 : i32
      scf.for %scan3A_23 = %scan3A_11 to %scan3A_13 step %scan3A_14  : i32 {
        "tpu.region"() ({
          %run_scoped3A = tpu.sem_alloc : memref<!tpu.dma_semaphore, #tpu.memory_space<semaphore_mem>>
          %dma_start3A = arith.constant 0 : i32
          %dma_start3A_24 = tpu.memref_slice %arg12[%scan3A_23, %dma_start3A] : memref<43x96xi32, #tpu.memory_space<vmem>> -> memref<1x96xi32, #tpu.memory_space<vmem>>
          %dma_start3A_25 = tpu.memref_squeeze %dma_start3A_24 : memref<1x96xi32, #tpu.memory_space<vmem>> -> memref<96xi32, #tpu.memory_space<vmem>>
          %dma_start3A_26 = arith.constant 0 : i32
          %dma_start3A_27 = arith.constant 0 : i32
          %dma_start3A_28 = tpu.memref_slice %arg2[%dma_start3A_26, %dma_start3A_27] : memref<10000x144xf32, #tpu.memory_space<hbm>> -> memref<10000x144xf32, #tpu.memory_space<hbm>>
          tpu.enqueue_indirect_dma source(%dma_start3A_28 : memref<10000x144xf32, #tpu.memory_space<hbm>>) target(%arg14 : memref<96x144xf32, #tpu.memory_space<vmem>>) offsets(%dma_start3A_25 : memref<96xi32, #tpu.memory_space<vmem>>) semaphore(%run_scoped3A : memref<!tpu.dma_semaphore, #tpu.memory_space<semaphore_mem>>)
          %dma_wait3A = arith.constant 0 : i32
          %dma_wait3A_29 = tpu.memref_slice %arg12[%scan3A_23, %dma_wait3A] : memref<43x96xi32, #tpu.memory_space<vmem>> -> memref<1x96xi32, #tpu.memory_space<vmem>>
          %dma_wait3A_30 = tpu.memref_squeeze %dma_wait3A_29 : memref<1x96xi32, #tpu.memory_space<vmem>> -> memref<96xi32, #tpu.memory_space<vmem>>
          %dma_wait3A_31 = arith.constant 0 : i32
          %dma_wait3A_32 = arith.constant 0 : i32
          %dma_wait3A_33 = tpu.memref_slice %arg2[%dma_wait3A_31, %dma_wait3A_32] : memref<10000x144xf32, #tpu.memory_space<hbm>> -> memref<10000x144xf32, #tpu.memory_space<hbm>>
          tpu.wait_indirect_dma semaphore(%run_scoped3A : memref<!tpu.dma_semaphore, #tpu.memory_space<semaphore_mem>>) src(%dma_wait3A_33 : memref<10000x144xf32, #tpu.memory_space<hbm>>) dst(%arg14 : memref<96x144xf32, #tpu.memory_space<vmem>>)
          tpu.yield
        }) : () -> ()
        "tpu.region"() ({
          %run_scoped3A = tpu.sem_alloc : memref<!tpu.dma_semaphore, #tpu.memory_space<semaphore_mem>>
          %dma_start3A = arith.constant 0 : i32
          %dma_start3A_24 = tpu.memref_slice %arg13[%scan3A_23, %dma_start3A] : memref<43x96xi32, #tpu.memory_space<vmem>> -> memref<1x96xi32, #tpu.memory_space<vmem>>
          %dma_start3A_25 = tpu.memref_squeeze %dma_start3A_24 : memref<1x96xi32, #tpu.memory_space<vmem>> -> memref<96xi32, #tpu.memory_space<vmem>>
          %dma_start3A_26 = arith.constant 0 : i32
          %dma_start3A_27 = arith.constant 0 : i32
          %dma_start3A_28 = tpu.memref_slice %arg9[%dma_start3A_26, %dma_start3A_27] : memref<10016x144xf32, #tpu.memory_space<vmem_shared>> -> memref<10016x144xf32, #tpu.memory_space<vmem_shared>>
          tpu.enqueue_indirect_dma source(%arg14 : memref<96x144xf32, #tpu.memory_space<vmem>>) target(%dma_start3A_28 : memref<10016x144xf32, #tpu.memory_space<vmem_shared>>) offsets(%dma_start3A_25 : memref<96xi32, #tpu.memory_space<vmem>>) semaphore(%run_scoped3A : memref<!tpu.dma_semaphore, #tpu.memory_space<semaphore_mem>>) {add = true}
          %dma_wait3A = arith.constant 0 : i32
          %dma_wait3A_29 = tpu.memref_slice %arg13[%scan3A_23, %dma_wait3A] : memref<43x96xi32, #tpu.memory_space<vmem>> -> memref<1x96xi32, #tpu.memory_space<vmem>>
          %dma_wait3A_30 = tpu.memref_squeeze %dma_wait3A_29 : memref<1x96xi32, #tpu.memory_space<vmem>> -> memref<96xi32, #tpu.memory_space<vmem>>
          %dma_wait3A_31 = arith.constant 0 : i32
          %dma_wait3A_32 = arith.constant 0 : i32
          %dma_wait3A_33 = tpu.memref_slice %arg9[%dma_wait3A_31, %dma_wait3A_32] : memref<10016x144xf32, #tpu.memory_space<vmem_shared>> -> memref<10016x144xf32, #tpu.memory_space<vmem_shared>>
          tpu.wait_indirect_dma semaphore(%run_scoped3A : memref<!tpu.dma_semaphore, #tpu.memory_space<semaphore_mem>>) src(%arg14 : memref<96x144xf32, #tpu.memory_space<vmem>>) dst(%dma_wait3A_33 : memref<10016x144xf32, #tpu.memory_space<vmem_shared>>)
          tpu.yield
        }) : () -> ()
      }
      %scan3A_15 = arith.constant 43 : i32
      "tpu.region"() ({
        %run_scoped3A = tpu.sem_alloc : memref<!tpu.dma_semaphore, #tpu.memory_space<semaphore_mem>>
        %dma_start3A = arith.constant 43 : i32
        %dma_start3A_23 = arith.constant 0 : i32
        %dma_start3A_24 = tpu.memref_slice %arg5[%arg1, %dma_start3A, %dma_start3A_23] : memref<16x86x96xi32, #tpu.memory_space<hbm>> -> memref<1x43x96xi32, #tpu.memory_space<hbm>>
        %dma_start3A_25 = tpu.memref_squeeze %dma_start3A_24 : memref<1x43x96xi32, #tpu.memory_space<hbm>> -> memref<43x96xi32, #tpu.memory_space<hbm>>
        %dma_start3A_26 = arith.constant 43 : i32
        %dma_start3A_27 = arith.constant 0 : i32
        %dma_start3A_28 = tpu.memref_slice %arg5[%arg1, %dma_start3A_26, %dma_start3A_27] : memref<16x86x96xi32, #tpu.memory_space<hbm>> -> memref<1x43x96xi32, #tpu.memory_space<hbm>>
        %dma_start3A_29 = tpu.memref_squeeze %dma_start3A_28 : memref<1x43x96xi32, #tpu.memory_space<hbm>> -> memref<43x96xi32, #tpu.memory_space<hbm>>
        tpu.enqueue_dma source(%dma_start3A_29 : memref<43x96xi32, #tpu.memory_space<hbm>>) target(%arg12 : memref<43x96xi32, #tpu.memory_space<vmem>>) target_semaphore(%run_scoped3A : memref<!tpu.dma_semaphore, #tpu.memory_space<semaphore_mem>>)
        %dma_wait3A = arith.constant 43 : i32
        %dma_wait3A_30 = arith.constant 0 : i32
        %dma_wait3A_31 = tpu.memref_slice %arg5[%arg1, %dma_wait3A, %dma_wait3A_30] : memref<16x86x96xi32, #tpu.memory_space<hbm>> -> memref<1x43x96xi32, #tpu.memory_space<hbm>>
        %dma_wait3A_32 = tpu.memref_squeeze %dma_wait3A_31 : memref<1x43x96xi32, #tpu.memory_space<hbm>> -> memref<43x96xi32, #tpu.memory_space<hbm>>
        %dma_wait3A_33 = arith.constant 43 : i32
        %dma_wait3A_34 = arith.constant 0 : i32
        %dma_wait3A_35 = tpu.memref_slice %arg5[%arg1, %dma_wait3A_33, %dma_wait3A_34] : memref<16x86x96xi32, #tpu.memory_space<hbm>> -> memref<1x43x96xi32, #tpu.memory_space<hbm>>
        %dma_wait3A_36 = tpu.memref_squeeze %dma_wait3A_35 : memref<1x43x96xi32, #tpu.memory_space<hbm>> -> memref<43x96xi32, #tpu.memory_space<hbm>>
        tpu.wait_dma2 semaphore(%run_scoped3A : memref<!tpu.dma_semaphore, #tpu.memory_space<semaphore_mem>>) src(%dma_wait3A_36 : memref<43x96xi32, #tpu.memory_space<hbm>>) dst(%arg12 : memref<43x96xi32, #tpu.memory_space<vmem>>)
        tpu.yield
      }) : () -> ()
      "tpu.region"() ({
        %run_scoped3A = tpu.sem_alloc : memref<!tpu.dma_semaphore, #tpu.memory_space<semaphore_mem>>
        %dma_start3A = arith.constant 43 : i32
        %dma_start3A_23 = arith.constant 0 : i32
        %dma_start3A_24 = tpu.memref_slice %arg6[%arg1, %dma_start3A, %dma_start3A_23] : memref<16x86x96xi32, #tpu.memory_space<hbm>> -> memref<1x43x96xi32, #tpu.memory_space<hbm>>
        %dma_start3A_25 = tpu.memref_squeeze %dma_start3A_24 : memref<1x43x96xi32, #tpu.memory_space<hbm>> -> memref<43x96xi32, #tpu.memory_space<hbm>>
        %dma_start3A_26 = arith.constant 43 : i32
        %dma_start3A_27 = arith.constant 0 : i32
        %dma_start3A_28 = tpu.memref_slice %arg6[%arg1, %dma_start3A_26, %dma_start3A_27] : memref<16x86x96xi32, #tpu.memory_space<hbm>> -> memref<1x43x96xi32, #tpu.memory_space<hbm>>
        %dma_start3A_29 = tpu.memref_squeeze %dma_start3A_28 : memref<1x43x96xi32, #tpu.memory_space<hbm>> -> memref<43x96xi32, #tpu.memory_space<hbm>>
        tpu.enqueue_dma source(%dma_start3A_29 : memref<43x96xi32, #tpu.memory_space<hbm>>) target(%arg13 : memref<43x96xi32, #tpu.memory_space<vmem>>) target_semaphore(%run_scoped3A : memref<!tpu.dma_semaphore, #tpu.memory_space<semaphore_mem>>)
        %dma_wait3A = arith.constant 43 : i32
        %dma_wait3A_30 = arith.constant 0 : i32
        %dma_wait3A_31 = tpu.memref_slice %arg6[%arg1, %dma_wait3A, %dma_wait3A_30] : memref<16x86x96xi32, #tpu.memory_space<hbm>> -> memref<1x43x96xi32, #tpu.memory_space<hbm>>
        %dma_wait3A_32 = tpu.memref_squeeze %dma_wait3A_31 : memref<1x43x96xi32, #tpu.memory_space<hbm>> -> memref<43x96xi32, #tpu.memory_space<hbm>>
        %dma_wait3A_33 = arith.constant 43 : i32
        %dma_wait3A_34 = arith.constant 0 : i32
        %dma_wait3A_35 = tpu.memref_slice %arg6[%arg1, %dma_wait3A_33, %dma_wait3A_34] : memref<16x86x96xi32, #tpu.memory_space<hbm>> -> memref<1x43x96xi32, #tpu.memory_space<hbm>>
        %dma_wait3A_36 = tpu.memref_squeeze %dma_wait3A_35 : memref<1x43x96xi32, #tpu.memory_space<hbm>> -> memref<43x96xi32, #tpu.memory_space<hbm>>
        tpu.wait_dma2 semaphore(%run_scoped3A : memref<!tpu.dma_semaphore, #tpu.memory_space<semaphore_mem>>) src(%dma_wait3A_36 : memref<43x96xi32, #tpu.memory_space<hbm>>) dst(%arg13 : memref<43x96xi32, #tpu.memory_space<vmem>>)
        tpu.yield
      }) : () -> ()
      %scan3A_16 = arith.constant 0 : i32
      %scan3A_17 = arith.constant 0 : i32
      %scan3A_18 = arith.constant 43 : i32
      %scan3A_19 = arith.addi %scan3A_17, %scan3A_18 : i32
      %scan3A_20 = arith.constant 1 : i32
      scf.for %scan3A_23 = %scan3A_17 to %scan3A_19 step %scan3A_20  : i32 {
        "tpu.region"() ({
          %run_scoped3A = tpu.sem_alloc : memref<!tpu.dma_semaphore, #tpu.memory_space<semaphore_mem>>
          %dma_start3A = arith.constant 0 : i32
          %dma_start3A_24 = tpu.memref_slice %arg12[%scan3A_23, %dma_start3A] : memref<43x96xi32, #tpu.memory_space<vmem>> -> memref<1x96xi32, #tpu.memory_space<vmem>>
          %dma_start3A_25 = tpu.memref_squeeze %dma_start3A_24 : memref<1x96xi32, #tpu.memory_space<vmem>> -> memref<96xi32, #tpu.memory_space<vmem>>
          %dma_start3A_26 = arith.constant 0 : i32
          %dma_start3A_27 = arith.constant 0 : i32
          %dma_start3A_28 = tpu.memref_slice %arg2[%dma_start3A_26, %dma_start3A_27] : memref<10000x144xf32, #tpu.memory_space<hbm>> -> memref<10000x144xf32, #tpu.memory_space<hbm>>
          tpu.enqueue_indirect_dma source(%dma_start3A_28 : memref<10000x144xf32, #tpu.memory_space<hbm>>) target(%arg14 : memref<96x144xf32, #tpu.memory_space<vmem>>) offsets(%dma_start3A_25 : memref<96xi32, #tpu.memory_space<vmem>>) semaphore(%run_scoped3A : memref<!tpu.dma_semaphore, #tpu.memory_space<semaphore_mem>>)
          %dma_wait3A = arith.constant 0 : i32
          %dma_wait3A_29 = tpu.memref_slice %arg12[%scan3A_23, %dma_wait3A] : memref<43x96xi32, #tpu.memory_space<vmem>> -> memref<1x96xi32, #tpu.memory_space<vmem>>
          %dma_wait3A_30 = tpu.memref_squeeze %dma_wait3A_29 : memref<1x96xi32, #tpu.memory_space<vmem>> -> memref<96xi32, #tpu.memory_space<vmem>>
          %dma_wait3A_31 = arith.constant 0 : i32
          %dma_wait3A_32 = arith.constant 0 : i32
          %dma_wait3A_33 = tpu.memref_slice %arg2[%dma_wait3A_31, %dma_wait3A_32] : memref<10000x144xf32, #tpu.memory_space<hbm>> -> memref<10000x144xf32, #tpu.memory_space<hbm>>
          tpu.wait_indirect_dma semaphore(%run_scoped3A : memref<!tpu.dma_semaphore, #tpu.memory_space<semaphore_mem>>) src(%dma_wait3A_33 : memref<10000x144xf32, #tpu.memory_space<hbm>>) dst(%arg14 : memref<96x144xf32, #tpu.memory_space<vmem>>)
          tpu.yield
        }) : () -> ()
        "tpu.region"() ({
          %run_scoped3A = tpu.sem_alloc : memref<!tpu.dma_semaphore, #tpu.memory_space<semaphore_mem>>
          %dma_start3A = arith.constant 0 : i32
          %dma_start3A_24 = tpu.memref_slice %arg13[%scan3A_23, %dma_start3A] : memref<43x96xi32, #tpu.memory_space<vmem>> -> memref<1x96xi32, #tpu.memory_space<vmem>>
          %dma_start3A_25 = tpu.memref_squeeze %dma_start3A_24 : memref<1x96xi32, #tpu.memory_space<vmem>> -> memref<96xi32, #tpu.memory_space<vmem>>
          %dma_start3A_26 = arith.constant 0 : i32
          %dma_start3A_27 = arith.constant 0 : i32
          %dma_start3A_28 = tpu.memref_slice %arg9[%dma_start3A_26, %dma_start3A_27] : memref<10016x144xf32, #tpu.memory_space<vmem_shared>> -> memref<10016x144xf32, #tpu.memory_space<vmem_shared>>
          tpu.enqueue_indirect_dma source(%arg14 : memref<96x144xf32, #tpu.memory_space<vmem>>) target(%dma_start3A_28 : memref<10016x144xf32, #tpu.memory_space<vmem_shared>>) offsets(%dma_start3A_25 : memref<96xi32, #tpu.memory_space<vmem>>) semaphore(%run_scoped3A : memref<!tpu.dma_semaphore, #tpu.memory_space<semaphore_mem>>) {add = true}
          %dma_wait3A = arith.constant 0 : i32
          %dma_wait3A_29 = tpu.memref_slice %arg13[%scan3A_23, %dma_wait3A] : memref<43x96xi32, #tpu.memory_space<vmem>> -> memref<1x96xi32, #tpu.memory_space<vmem>>
          %dma_wait3A_30 = tpu.memref_squeeze %dma_wait3A_29 : memref<1x96xi32, #tpu.memory_space<vmem>> -> memref<96xi32, #tpu.memory_space<vmem>>
          %dma_wait3A_31 = arith.constant 0 : i32
          %dma_wait3A_32 = arith.constant 0 : i32
          %dma_wait3A_33 = tpu.memref_slice %arg9[%dma_wait3A_31, %dma_wait3A_32] : memref<10016x144xf32, #tpu.memory_space<vmem_shared>> -> memref<10016x144xf32, #tpu.memory_space<vmem_shared>>
          tpu.wait_indirect_dma semaphore(%run_scoped3A : memref<!tpu.dma_semaphore, #tpu.memory_space<semaphore_mem>>) src(%arg14 : memref<96x144xf32, #tpu.memory_space<vmem>>) dst(%dma_wait3A_33 : memref<10016x144xf32, #tpu.memory_space<vmem_shared>>)
          tpu.yield
        }) : () -> ()
      }
      %scan3A_21 = arith.constant 43 : i32
      %barrier3A_22 = arith.constant 0 : index
      tpu.barrier barrier_id(%barrier3A_22)
    } else {
    }
    %mul3A_8 = arith.constant 10016 : i32
    %mul3A_9 = arith.muli %arg0, %mul3A_8 : i32
    %add3A_10 = arith.addi %mul3A_9, %mul3A_0 : i32
    "tpu.region"() ({
      %run_scoped3A = tpu.sem_alloc : memref<!tpu.dma_semaphore, #tpu.memory_space<semaphore_mem>>
      %dma_start3A = arith.constant 0 : i32
      %dma_start3A_11 = tpu.memref_slice %arg8[%add3A_10, %dma_start3A] : memref<20032x144xf32, #tpu.memory_space<hbm>> -> memref<626x144xf32, #tpu.memory_space<hbm>>
      %dma_start3A_12 = arith.constant 0 : i32
      %dma_start3A_13 = tpu.memref_slice %arg9[%mul3A_0, %dma_start3A_12] : memref<10016x144xf32, #tpu.memory_space<vmem_shared>> -> memref<626x144xf32, #tpu.memory_space<vmem_shared>>
      tpu.enqueue_dma source(%dma_start3A_13 : memref<626x144xf32, #tpu.memory_space<vmem_shared>>) target(%dma_start3A_11 : memref<626x144xf32, #tpu.memory_space<hbm>>) target_semaphore(%run_scoped3A : memref<!tpu.dma_semaphore, #tpu.memory_space<semaphore_mem>>)
      %dma_wait3A = arith.constant 0 : i32
      %dma_wait3A_14 = tpu.memref_slice %arg8[%add3A_10, %dma_wait3A] : memref<20032x144xf32, #tpu.memory_space<hbm>> -> memref<626x144xf32, #tpu.memory_space<hbm>>
      %dma_wait3A_15 = arith.constant 0 : i32
      %dma_wait3A_16 = tpu.memref_slice %arg9[%mul3A_0, %dma_wait3A_15] : memref<10016x144xf32, #tpu.memory_space<vmem_shared>> -> memref<626x144xf32, #tpu.memory_space<vmem_shared>>
      tpu.wait_dma2 semaphore(%run_scoped3A : memref<!tpu.dma_semaphore, #tpu.memory_space<semaphore_mem>>) src(%dma_wait3A_16 : memref<626x144xf32, #tpu.memory_space<vmem_shared>>) dst(%dma_wait3A_14 : memref<626x144xf32, #tpu.memory_space<hbm>>)
      tpu.yield
    }) : () -> ()
    return
  }
}

module attributes {stable_mosaic.version = 14 : i64} {
  func.func @body(%arg0: i32, %arg1: memref<400x128xf32, #tpu.memory_space<vmem>>, %arg2: memref<128x128xf32, #tpu.memory_space<vmem>>, %arg3: memref<1x128xf32, #tpu.memory_space<vmem>>, %arg4: memref<128x1xf32, #tpu.memory_space<vmem>>, %arg5: memref<400x128xf32, #tpu.memory_space<vmem>>, %arg6: memref<400x144xf32, #tpu.memory_space<vmem>>) attributes {dimension_semantics = [#tpu.dimension_semantics<arbitrary>], iteration_bounds = array<i64: 25>, scalar_prefetch = 0 : i64, scratch_operands = 0 : i64, tpu.core_type = #tpu.core_type<tc>, window_params = [{transform_indices = @transform_0, window_bounds = array<i64: 400, 128>}, {pipeline_mode = #tpu.pipeline_mode<synchronous>, transform_indices = @transform_1, window_bounds = array<i64: 128, 128>}, {pipeline_mode = #tpu.pipeline_mode<synchronous>, transform_indices = @transform_2, window_bounds = array<i64: 1, 128>}, {pipeline_mode = #tpu.pipeline_mode<synchronous>, transform_indices = @transform_3, window_bounds = array<i64: 128, 1>}, {transform_indices = @transform_4, window_bounds = array<i64: 400, 128>}, {transform_indices = @transform_5, window_bounds = array<i64: 400, 144>}]} {
    %get3A = arith.constant 0 : index
    %get3A_0 = arith.constant 0 : index
    %get3A_1 = vector.load %arg1[%get3A, %get3A_0] : memref<400x128xf32, #tpu.memory_space<vmem>>, vector<400x128xf32>
    %get3A_2 = arith.constant 0 : index
    %get3A_3 = arith.constant 0 : index
    %get3A_4 = vector.load %arg2[%get3A_2, %get3A_3] : memref<128x128xf32, #tpu.memory_space<vmem>>, vector<128x128xf32>
    %dot_general3A = arith.constant dense<0.000000e+00> : vector<400x128xf32>
    %dot_general3A_5 = tpu.matmul %get3A_1, %get3A_4, %dot_general3A {dimension_numbers = #tpu.dot_dimension_numbers<[1], [0], [0], [1], [0, 0, 1, 1], [], []>, transpose_lhs_hint = false} : vector<400x128xf32>, vector<128x128xf32>, vector<400x128xf32> -> vector<400x128xf32>
    %get3A_6 = arith.constant 0 : index
    %get3A_7 = arith.constant 0 : index
    %get3A_8 = vector.load %arg3[%get3A_6, %get3A_7] : memref<1x128xf32, #tpu.memory_space<vmem>>, vector<1x128xf32>
    %add3A = vector.broadcast %get3A_8 : vector<1x128xf32> to vector<400x128xf32>
    %add3A_9 = arith.addf %dot_general3A_5, %add3A : vector<400x128xf32>
    %swap3A = arith.constant 0 : index
    %swap3A_10 = arith.constant 0 : index
    %swap3A_11 = vector.load %arg5[%swap3A, %swap3A_10] : memref<400x128xf32, #tpu.memory_space<vmem>>, vector<400x128xf32>
    tpu.vector_store %arg5[%swap3A, %swap3A_10], %add3A_9 {strides = array<i32>} : memref<400x128xf32, #tpu.memory_space<vmem>>, vector<400x128xf32>,
    %get3A_12 = arith.constant 0 : index
    %get3A_13 = arith.constant 0 : index
    %get3A_14 = vector.load %arg4[%get3A_12, %get3A_13] : memref<128x1xf32, #tpu.memory_space<vmem>>, vector<128x1xf32>
    %dot_general3A_15 = arith.constant dense<0.000000e+00> : vector<400x1xf32>
    %dot_general3A_16 = tpu.matmul %add3A_9, %get3A_14, %dot_general3A_15 {dimension_numbers = #tpu.dot_dimension_numbers<[1], [0], [0], [1], [0, 0, 1, 1], [], []>, transpose_lhs_hint = false} : vector<400x128xf32>, vector<128x1xf32>, vector<400x1xf32> -> vector<400x1xf32>
    %exp3A = math.exp %dot_general3A_16 : vector<400x1xf32>
    %mul3A = vector.broadcast %exp3A : vector<400x1xf32> to vector<400x128xf32>
    %mul3A_17 = arith.mulf %add3A_9, %mul3A : vector<400x128xf32>
    %broadcast_in_dim3A = arith.constant 0.000000e+00 : f32
    %broadcast_in_dim3A_18 = vector.broadcast %broadcast_in_dim3A : f32 to vector<400x15xf32>
    %concatenate3A = tpu.concatenate %mul3A_17, %exp3A, %broadcast_in_dim3A_18 in 1 : vector<400x128xf32>, vector<400x1xf32>, vector<400x15xf32> -> vector<400x144xf32>
    %swap3A_19 = arith.constant 0 : index
    %swap3A_20 = arith.constant 0 : index
    %swap3A_21 = vector.load %arg6[%swap3A_19, %swap3A_20] : memref<400x144xf32, #tpu.memory_space<vmem>>, vector<400x144xf32>
    tpu.vector_store %arg6[%swap3A_19, %swap3A_20], %concatenate3A {strides = array<i32>} : memref<400x144xf32, #tpu.memory_space<vmem>>, vector<400x144xf32>,
    return
  }
  func.func @transform_0(%arg0: i32) -> (i32, i32) {
    %c0_i32 = arith.constant 0 : i32
    %c0_i32_0 = arith.constant 0 : i32
    return %arg0, %c0_i32 : i32, i32
  }
  func.func @transform_1(%arg0: i32) -> (i32, i32) {
    %c0_i32 = arith.constant 0 : i32
    %c0_i32_0 = arith.constant 0 : i32
    %c0_i32_1 = arith.constant 0 : i32
    return %c0_i32, %c0_i32_0 : i32, i32
  }
  func.func @transform_2(%arg0: i32) -> (i32, i32) {
    %c0_i32 = arith.constant 0 : i32
    %c0_i32_0 = arith.constant 0 : i32
    %c0_i32_1 = arith.constant 0 : i32
    return %c0_i32, %c0_i32_0 : i32, i32
  }
  func.func @transform_3(%arg0: i32) -> (i32, i32) {
    %c0_i32 = arith.constant 0 : i32
    %c0_i32_0 = arith.constant 0 : i32
    %c0_i32_1 = arith.constant 0 : i32
    return %c0_i32, %c0_i32_0 : i32, i32
  }
  func.func @transform_4(%arg0: i32) -> (i32, i32) {
    %c0_i32 = arith.constant 0 : i32
    %c0_i32_0 = arith.constant 0 : i32
    return %arg0, %c0_i32 : i32, i32
  }
  func.func @transform_5(%arg0: i32) -> (i32, i32) {
    %c0_i32 = arith.constant 0 : i32
    %c0_i32_0 = arith.constant 0 : i32
    return %arg0, %c0_i32 : i32, i32
  }
}

module attributes {stable_mosaic.version = 14 : i64} {
  func.func @body(%arg0: i32, %arg1: memref<2x400x144xf32, #tpu.memory_space<vmem>>, %arg2: memref<400x128xf32, #tpu.memory_space<vmem>>, %arg3: memref<256x128xf32, #tpu.memory_space<vmem>>, %arg4: memref<128x1xf32, #tpu.memory_space<vmem>>, %arg5: memref<400x128xf32, #tpu.memory_space<vmem>>, %arg6: memref<400x144xf32, #tpu.memory_space<vmem>>) attributes {dimension_semantics = [#tpu.dimension_semantics<arbitrary>], iteration_bounds = array<i64: 25>, scalar_prefetch = 0 : i64, scratch_operands = 0 : i64, tpu.core_type = #tpu.core_type<tc>, window_params = [{transform_indices = @transform_0, window_bounds = array<i64: 2, 400, 144>}, {transform_indices = @transform_1, window_bounds = array<i64: 400, 128>}, {pipeline_mode = #tpu.pipeline_mode<synchronous>, transform_indices = @transform_2, window_bounds = array<i64: 256, 128>}, {pipeline_mode = #tpu.pipeline_mode<synchronous>, transform_indices = @transform_3, window_bounds = array<i64: 128, 1>}, {transform_indices = @transform_4, window_bounds = array<i64: 400, 128>}, {transform_indices = @transform_5, window_bounds = array<i64: 400, 144>}]} {
    %get3A = arith.constant 0 : index
    %get3A_0 = arith.constant 0 : index
    %get3A_1 = arith.constant 0 : index
    %get3A_2 = vector.load %arg1[%get3A, %get3A_0, %get3A_1] : memref<2x400x144xf32, #tpu.memory_space<vmem>>, vector<1x400x144xf32>
    %get3A_3 = vector.shape_cast %get3A_2 : vector<1x400x144xf32> to vector<400x144xf32>
    %get3A_4 = arith.constant 1 : index
    %get3A_5 = arith.constant 0 : index
    %get3A_6 = arith.constant 0 : index
    %get3A_7 = vector.load %arg1[%get3A_4, %get3A_5, %get3A_6] : memref<2x400x144xf32, #tpu.memory_space<vmem>>, vector<1x400x144xf32>
    %get3A_8 = vector.shape_cast %get3A_7 : vector<1x400x144xf32> to vector<400x144xf32>
    %add3A = arith.addf %get3A_3, %get3A_8 : vector<400x144xf32>
    %slice3A = vector.extract_strided_slice %add3A {offsets = [0, 128], sizes = [400, 1], strides = [1, 1]} : vector<400x144xf32> to vector<400x1xf32>
    %ne3A = arith.constant 0.000000e+00 : f32
    %ne3A_9 = vector.broadcast %ne3A : f32 to vector<400x1xf32>
    %ne3A_10 = arith.cmpf one, %slice3A, %ne3A_9 : vector<400x1xf32>
    %slice3A_11 = vector.extract_strided_slice %add3A {offsets = [0, 0], sizes = [400, 128], strides = [1, 1]} : vector<400x144xf32> to vector<400x128xf32>
    %div3A = vector.broadcast %slice3A : vector<400x1xf32> to vector<400x128xf32>
    %div3A_12 = arith.divf %slice3A_11, %div3A : vector<400x128xf32>
    %jit3A = arith.constant 0.000000e+00 : f32
    %broadcast_in_dim3A = vector.shape_cast %ne3A_10 : vector<400x1xi1> to vector<400x1xi1>
    %broadcast_in_dim3A_13 = vector.broadcast %broadcast_in_dim3A : vector<400x1xi1> to vector<400x128xi1>
    %broadcast_in_dim3A_14 = vector.broadcast %jit3A : f32 to vector<400x128xf32>
    %select_n3A = arith.select %broadcast_in_dim3A_13, %div3A_12, %broadcast_in_dim3A_14 : vector<400x128xi1>, vector<400x128xf32>
    %get3A_15 = arith.constant 0 : index
    %get3A_16 = arith.constant 0 : index
    %get3A_17 = vector.load %arg2[%get3A_15, %get3A_16] : memref<400x128xf32, #tpu.memory_space<vmem>>, vector<400x128xf32>
    %get3A_18 = arith.constant 0 : index
    %get3A_19 = arith.constant 0 : index
    %get3A_20 = vector.load %arg3[%get3A_18, %get3A_19] : memref<256x128xf32, #tpu.memory_space<vmem>>, vector<128x128xf32>
    %dot_general3A = arith.constant dense<0.000000e+00> : vector<400x128xf32>
    %dot_general3A_21 = tpu.matmul %get3A_17, %get3A_20, %dot_general3A {dimension_numbers = #tpu.dot_dimension_numbers<[1], [0], [0], [1], [0, 0, 1, 1], [], []>, transpose_lhs_hint = false} : vector<400x128xf32>, vector<128x128xf32>, vector<400x128xf32> -> vector<400x128xf32>
    %get3A_22 = arith.constant 128 : index
    %get3A_23 = arith.constant 0 : index
    %get3A_24 = vector.load %arg3[%get3A_22, %get3A_23] : memref<256x128xf32, #tpu.memory_space<vmem>>, vector<128x128xf32>
    %dot_general3A_25 = arith.constant dense<0.000000e+00> : vector<400x128xf32>
    %dot_general3A_26 = tpu.matmul %select_n3A, %get3A_24, %dot_general3A_25 {dimension_numbers = #tpu.dot_dimension_numbers<[1], [0], [0], [1], [0, 0, 1, 1], [], []>, transpose_lhs_hint = false} : vector<400x128xf32>, vector<128x128xf32>, vector<400x128xf32> -> vector<400x128xf32>
    %add3A_27 = arith.addf %dot_general3A_21, %dot_general3A_26 : vector<400x128xf32>
    %max3A = arith.constant 0.000000e+00 : f32
    %max3A_28 = vector.broadcast %max3A : f32 to vector<400x128xf32>
    %max3A_29 = arith.maximumf %add3A_27, %max3A_28 : vector<400x128xf32>
    %swap3A = arith.constant 0 : index
    %swap3A_30 = arith.constant 0 : index
    %swap3A_31 = vector.load %arg5[%swap3A, %swap3A_30] : memref<400x128xf32, #tpu.memory_space<vmem>>, vector<400x128xf32>
    tpu.vector_store %arg5[%swap3A, %swap3A_30], %max3A_29 {strides = array<i32>} : memref<400x128xf32, #tpu.memory_space<vmem>>, vector<400x128xf32>,
    %get3A_32 = arith.constant 0 : index
    %get3A_33 = arith.constant 0 : index
    %get3A_34 = vector.load %arg4[%get3A_32, %get3A_33] : memref<128x1xf32, #tpu.memory_space<vmem>>, vector<128x1xf32>
    %dot_general3A_35 = arith.constant dense<0.000000e+00> : vector<400x1xf32>
    %dot_general3A_36 = tpu.matmul %max3A_29, %get3A_34, %dot_general3A_35 {dimension_numbers = #tpu.dot_dimension_numbers<[1], [0], [0], [1], [0, 0, 1, 1], [], []>, transpose_lhs_hint = false} : vector<400x128xf32>, vector<128x1xf32>, vector<400x1xf32> -> vector<400x1xf32>
    %exp3A = math.exp %dot_general3A_36 : vector<400x1xf32>
    %mul3A = vector.broadcast %exp3A : vector<400x1xf32> to vector<400x128xf32>
    %mul3A_37 = arith.mulf %max3A_29, %mul3A : vector<400x128xf32>
    %broadcast_in_dim3A_38 = arith.constant 0.000000e+00 : f32
    %broadcast_in_dim3A_39 = vector.broadcast %broadcast_in_dim3A_38 : f32 to vector<400x15xf32>
    %concatenate3A = tpu.concatenate %mul3A_37, %exp3A, %broadcast_in_dim3A_39 in 1 : vector<400x128xf32>, vector<400x1xf32>, vector<400x15xf32> -> vector<400x144xf32>
    %swap3A_40 = arith.constant 0 : index
    %swap3A_41 = arith.constant 0 : index
    %swap3A_42 = vector.load %arg6[%swap3A_40, %swap3A_41] : memref<400x144xf32, #tpu.memory_space<vmem>>, vector<400x144xf32>
    tpu.vector_store %arg6[%swap3A_40, %swap3A_41], %concatenate3A {strides = array<i32>} : memref<400x144xf32, #tpu.memory_space<vmem>>, vector<400x144xf32>,
    return
  }
  func.func @transform_0(%arg0: i32) -> (i32, i32, i32) {
    %c0_i32 = arith.constant 0 : i32
    %c0_i32_0 = arith.constant 0 : i32
    %c0_i32_1 = arith.constant 0 : i32
    return %c0_i32, %arg0, %c0_i32_0 : i32, i32, i32
  }
  func.func @transform_1(%arg0: i32) -> (i32, i32) {
    %c0_i32 = arith.constant 0 : i32
    %c0_i32_0 = arith.constant 0 : i32
    return %arg0, %c0_i32 : i32, i32
  }
  func.func @transform_2(%arg0: i32) -> (i32, i32) {
    %c0_i32 = arith.constant 0 : i32
    %c0_i32_0 = arith.constant 0 : i32
    %c0_i32_1 = arith.constant 0 : i32
    return %c0_i32, %c0_i32_0 : i32, i32
  }
  func.func @transform_3(%arg0: i32) -> (i32, i32) {
    %c0_i32 = arith.constant 0 : i32
    %c0_i32_0 = arith.constant 0 : i32
    %c0_i32_1 = arith.constant 0 : i32
    return %c0_i32, %c0_i32_0 : i32, i32
  }
  func.func @transform_4(%arg0: i32) -> (i32, i32) {
    %c0_i32 = arith.constant 0 : i32
    %c0_i32_0 = arith.constant 0 : i32
    return %arg0, %c0_i32 : i32, i32
  }
  func.func @transform_5(%arg0: i32) -> (i32, i32) {
    %c0_i32 = arith.constant 0 : i32
    %c0_i32_0 = arith.constant 0 : i32
    return %arg0, %c0_i32 : i32, i32
  }
}

module attributes {stable_mosaic.version = 14 : i64} {
  func.func @body(%arg0: i32, %arg1: memref<2x400x144xf32, #tpu.memory_space<vmem>>, %arg2: memref<400x128xf32, #tpu.memory_space<vmem>>, %arg3: memref<256x128xf32, #tpu.memory_space<vmem>>, %arg4: memref<400x128xf32, #tpu.memory_space<vmem>>) attributes {dimension_semantics = [#tpu.dimension_semantics<arbitrary>], iteration_bounds = array<i64: 25>, scalar_prefetch = 0 : i64, scratch_operands = 0 : i64, tpu.core_type = #tpu.core_type<tc>, window_params = [{transform_indices = @transform_0, window_bounds = array<i64: 2, 400, 144>}, {transform_indices = @transform_1, window_bounds = array<i64: 400, 128>}, {pipeline_mode = #tpu.pipeline_mode<synchronous>, transform_indices = @transform_2, window_bounds = array<i64: 256, 128>}, {transform_indices = @transform_3, window_bounds = array<i64: 400, 128>}]} {
    %get3A = arith.constant 0 : index
    %get3A_0 = arith.constant 0 : index
    %get3A_1 = arith.constant 0 : index
    %get3A_2 = vector.load %arg1[%get3A, %get3A_0, %get3A_1] : memref<2x400x144xf32, #tpu.memory_space<vmem>>, vector<1x400x144xf32>
    %get3A_3 = vector.shape_cast %get3A_2 : vector<1x400x144xf32> to vector<400x144xf32>
    %get3A_4 = arith.constant 1 : index
    %get3A_5 = arith.constant 0 : index
    %get3A_6 = arith.constant 0 : index
    %get3A_7 = vector.load %arg1[%get3A_4, %get3A_5, %get3A_6] : memref<2x400x144xf32, #tpu.memory_space<vmem>>, vector<1x400x144xf32>
    %get3A_8 = vector.shape_cast %get3A_7 : vector<1x400x144xf32> to vector<400x144xf32>
    %add3A = arith.addf %get3A_3, %get3A_8 : vector<400x144xf32>
    %slice3A = vector.extract_strided_slice %add3A {offsets = [0, 128], sizes = [400, 1], strides = [1, 1]} : vector<400x144xf32> to vector<400x1xf32>
    %ne3A = arith.constant 0.000000e+00 : f32
    %ne3A_9 = vector.broadcast %ne3A : f32 to vector<400x1xf32>
    %ne3A_10 = arith.cmpf one, %slice3A, %ne3A_9 : vector<400x1xf32>
    %slice3A_11 = vector.extract_strided_slice %add3A {offsets = [0, 0], sizes = [400, 128], strides = [1, 1]} : vector<400x144xf32> to vector<400x128xf32>
    %div3A = vector.broadcast %slice3A : vector<400x1xf32> to vector<400x128xf32>
    %div3A_12 = arith.divf %slice3A_11, %div3A : vector<400x128xf32>
    %jit3A = arith.constant 0.000000e+00 : f32
    %broadcast_in_dim3A = vector.shape_cast %ne3A_10 : vector<400x1xi1> to vector<400x1xi1>
    %broadcast_in_dim3A_13 = vector.broadcast %broadcast_in_dim3A : vector<400x1xi1> to vector<400x128xi1>
    %broadcast_in_dim3A_14 = vector.broadcast %jit3A : f32 to vector<400x128xf32>
    %select_n3A = arith.select %broadcast_in_dim3A_13, %div3A_12, %broadcast_in_dim3A_14 : vector<400x128xi1>, vector<400x128xf32>
    %get3A_15 = arith.constant 0 : index
    %get3A_16 = arith.constant 0 : index
    %get3A_17 = vector.load %arg2[%get3A_15, %get3A_16] : memref<400x128xf32, #tpu.memory_space<vmem>>, vector<400x128xf32>
    %get3A_18 = arith.constant 0 : index
    %get3A_19 = arith.constant 0 : index
    %get3A_20 = vector.load %arg3[%get3A_18, %get3A_19] : memref<256x128xf32, #tpu.memory_space<vmem>>, vector<128x128xf32>
    %dot_general3A = arith.constant dense<0.000000e+00> : vector<400x128xf32>
    %dot_general3A_21 = tpu.matmul %get3A_17, %get3A_20, %dot_general3A {dimension_numbers = #tpu.dot_dimension_numbers<[1], [0], [0], [1], [0, 0, 1, 1], [], []>, transpose_lhs_hint = false} : vector<400x128xf32>, vector<128x128xf32>, vector<400x128xf32> -> vector<400x128xf32>
    %get3A_22 = arith.constant 128 : index
    %get3A_23 = arith.constant 0 : index
    %get3A_24 = vector.load %arg3[%get3A_22, %get3A_23] : memref<256x128xf32, #tpu.memory_space<vmem>>, vector<128x128xf32>
    %dot_general3A_25 = arith.constant dense<0.000000e+00> : vector<400x128xf32>
    %dot_general3A_26 = tpu.matmul %select_n3A, %get3A_24, %dot_general3A_25 {dimension_numbers = #tpu.dot_dimension_numbers<[1], [0], [0], [1], [0, 0, 1, 1], [], []>, transpose_lhs_hint = false} : vector<400x128xf32>, vector<128x128xf32>, vector<400x128xf32> -> vector<400x128xf32>
    %add3A_27 = arith.addf %dot_general3A_21, %dot_general3A_26 : vector<400x128xf32>
    %max3A = arith.constant 0.000000e+00 : f32
    %max3A_28 = vector.broadcast %max3A : f32 to vector<400x128xf32>
    %max3A_29 = arith.maximumf %add3A_27, %max3A_28 : vector<400x128xf32>
    %swap3A = arith.constant 0 : index
    %swap3A_30 = arith.constant 0 : index
    %swap3A_31 = vector.load %arg4[%swap3A, %swap3A_30] : memref<400x128xf32, #tpu.memory_space<vmem>>, vector<400x128xf32>
    tpu.vector_store %arg4[%swap3A, %swap3A_30], %max3A_29 {strides = array<i32>} : memref<400x128xf32, #tpu.memory_space<vmem>>, vector<400x128xf32>,
    return
  }
  func.func @transform_0(%arg0: i32) -> (i32, i32, i32) {
    %c0_i32 = arith.constant 0 : i32
    %c0_i32_0 = arith.constant 0 : i32
    %c0_i32_1 = arith.constant 0 : i32
    return %c0_i32, %arg0, %c0_i32_0 : i32, i32, i32
  }
  func.func @transform_1(%arg0: i32) -> (i32, i32) {
    %c0_i32 = arith.constant 0 : i32
    %c0_i32_0 = arith.constant 0 : i32
    return %arg0, %c0_i32 : i32, i32
  }
  func.func @transform_2(%arg0: i32) -> (i32, i32) {
    %c0_i32 = arith.constant 0 : i32
    %c0_i32_0 = arith.constant 0 : i32
    %c0_i32_1 = arith.constant 0 : i32
    return %c0_i32, %c0_i32_0 : i32, i32
  }
  func.func @transform_3(%arg0: i32) -> (i32, i32) {
    %c0_i32 = arith.constant 0 : i32
    %c0_i32_0 = arith.constant 0 : i32
    return %arg0, %c0_i32 : i32, i32
  }
}

</mosaic_0001>

<sc_bundles>
// kernel: kernel.10.cloned.1.call-start
scs
__scs_entry_jumppad:
0x0: {  	(pc) =	sbr.rel $0x88, $3  }
0x1: {  	(tag) =	ssettag $0x0;
	lr =	simm.s32 $0x1  }
0x2: {  	[smem:$0x3F99] =	sst lr;
	_ =	strace $0xD0000000  }
0x3: {  	_ = 	snop  }
0x4: {  	_ = 	snop  }
0x5: {  	_ = 	snop  }
0x6: {  	_ = 	snop  }
0x7: {  	_ = 	snop  }
__scs_overlays_trampoline_lowered:
0x8: {  	[smem:$0x3FA8] =	sst s0  }
0x9: {  	[smem:$0x3FA9] =	sst s1  }
0xa: {  	[smem:$0x3FAA] =	sst s2  }
0xb: {  	[smem:$0x3FAB] =	sst s3  }
0xc: {  	[smem:$0x3FAC] =	sst s4  }
0xd: {  	[smem:$0x3FAD] =	sst s5  }
0xe: {  	[smem:$0x3FAE] =	sst s6  }
0xf: {  	[smem:$0x3FAF] =	sst s7  }
0x10: {  	[smem:$0x3FB0] =	sst s8  }
0x11: {  	[smem:$0x3FB1] =	sst s9;
	s0 =	simm.s32 @!p0 $0x0  }
0x12: {  	s1 =	sld [smem:$0x3F97];
	s0 =	simm.s32 @p0 $0x1  }
0x13: {  	[smem:$0x3FB2] =	sst s0;
	s0 =	simm.s32 @!p1 $0x0  }
0x14: {  	s2 =	sld [smem:$0x3F96];
	s0 =	simm.s32 @p1 $0x1  }
0x15: {  	[smem:$0x3FB3] =	sst s0;
	s0 =	simm.s32 @!p2 $0x0  }
0x16: {  	s3 =	sld [smem:$0x3FDB];
	s0 =	simm.s32 @p2 $0x1  }
0x17: {  	s4 =	simm.s32 $0x1BF5;
	[smem:$0x3FB5] =	sst s0  }
0x18: {  	s0 =	sld [smem:$0x3F98];
	_ =	swait.ge [sflag:s4], $0x0  }
0x19: {  	s7 =	sld [smem:$0x3F99]  }
0x1a: {  	s8 =	sadd.s32 $0xFFFFE003, lr  }
0x1b: {  	s9 =	sadd.s32 $0xFFFFFEF7, lr;
	s5 =	simm.s32 $0xFFFFFFFF;
	p2 =	slt.u32 s8, $0xFFFFF086  }
0x1c: {  	p1 =	slt.u32 s9, $0xF7A;
	s5 =	simm.s32 @!p2 $0x0  }
0x1d: {  	s5 =	simm.s32 @p1 $0x1;
	p0 =	seq.s32 s7, s2  }
0x1e: {  	s7 =	smul.u32 @!p0 $0xF7A, s2;
	p2 =	seq.s32 @!p0 s5, $0x0  }
0x1f: {  	s9 =	smul.u32 $0xF7A, s1;
	s8 =	simm.s32 @!p0 $0x1BF5;
	p2 =	por !p2, p0  }
0x20: {  	[sflag:s8] =	ssyncset.s32 @!p0 $0xFFFFF086;
	s6 =	sadd.s32 @!p0 s3, s7;
	s7 =	simm.s32 @!p0 $0x108  }
0x21: {  	s3 =	sadd.s32 s3, s9;
	s6 =	sadd.s32 @!p0 $0x88, s6;
	s7 =	simm.s32 @p2 $0x1082  }
0x22: {  	[simem:s7], [sflag:s8] =	dma.local @!p0 [hbm:s6], $0xF7A  }
0x23: {  	s9 =	sor.u32 $0xD0000000, s2;
	s6 =	simm.s32 $0x108;
	_ =	swait.ge @!p0 [sflag:s8], $0x0  }
0x24: {  	s3 =	sadd.s32 $0x88, s3;
	s6 =	simm.s32 @!p1 $0x1082;
	[sflag:s4] =	ssyncset.s32 $0xFFFFF086  }
0x25: {  	[simem:s6], [sflag:s4] =	dma.local [hbm:s3], $0xF7A  }
0x26: {  	[smem:$0x3F99] =	sst s1;
	(tag) =	ssettag s2;
	_ =	strace s9  }
0x27: {  	s1 =	sld [smem:$0x3FA9]  }
0x28: {  	s2 =	sld [smem:$0x3FAA]  }
0x29: {  	s4 =	sld [smem:$0x3FAC]  }
0x2a: {  	p0 =	seq.s32 s5, $0x0;
	s5 =	sld [smem:$0x3FAD]  }
0x2b: {  	s6 =	sld [smem:$0x3FAE]  }
0x2c: {  	s7 =	sld [smem:$0x3FAF]  }
0x2d: {  	s3 =	simm.s32 $0x108;
	s8 =	sld [smem:$0x3FB0]  }
0x2e: {  	s3 =	simm.s32 @!p0 $0x1082;
	s9 =	sld [smem:$0x3FB1]  }
0x2f: {  	lr =	sadd.s32 s0, s3;
	s0 =	sld [smem:$0x3FA8]  }
0x30: {  	s3 =	sld [smem:$0x3FAB]  }
0x31: {  	[smem:$0x3FB4] =	sst s10  }
0x32: {  	s10 =	sld [smem:$0x3FB2];
	_ =	sdelay $0x3  }
0x33: {  	p0 =	seq.s32 s10, $0x1;
	s10 =	sld [smem:$0x3FB4];
	_ =	sdelay $0x3  }
0x34: {  	[smem:$0x3FB4] =	sst s10  }
0x35: {  	s10 =	sld [smem:$0x3FB3];
	_ =	sdelay $0x3  }
0x36: {  	p1 =	seq.s32 s10, $0x1;
	s10 =	sld [smem:$0x3FB4];
	_ =	sdelay $0x3  }
0x37: {  	[smem:$0x3FB4] =	sst s10  }
0x38: {  	s10 =	sld [smem:$0x3FB5]  }
0x39: {  	_ = 	snop;
	(pc) =	sbr.ind lr, $3  }
0x3a: {  	_ = 	snop  }
0x3b: {  	_ = 	snop  }
0x3c: {  	p2 =	seq.s32 s10, $0x1;
	s10 =	sld [smem:$0x3FB4]  }
0x3d: {  	_ =	shalt  }
0x3e: {  	_ =	shalt  }
0x3f: {  	_ =	shalt  }
0x40: {  	_ =	shalt  }
0x41: {  	_ =	shalt  }
0x42: {  	_ =	shalt  }
0x43: {  	_ =	shalt  }
0x44: {  	_ =	shalt  }
0x45: {  	_ =	shalt  }
0x46: {  	_ =	shalt  }
0x47: {  	_ =	shalt  }
0x48: {  	_ =	shalt  }
0x49: {  	_ =	shalt  }
0x4a: {  	_ =	shalt  }
0x4b: {  	_ =	shalt  }
0x4c: {  	_ =	shalt  }
0x4d: {  	_ =	shalt  }
0x4e: {  	_ =	shalt  }
0x4f: {  	_ =	shalt  }
0x50: {  	_ =	shalt  }
0x51: {  	_ =	shalt  }
0x52: {  	_ =	shalt  }
0x53: {  	_ =	shalt  }
0x54: {  	_ =	shalt  }
0x55: {  	_ =	shalt  }
0x56: {  	_ =	shalt  }
0x57: {  	_ =	shalt  }
0x58: {  	_ =	shalt  }
0x59: {  	_ =	shalt  }
0x5a: {  	_ =	shalt  }
0x5b: {  	_ =	shalt  }
0x5c: {  	_ =	shalt  }
0x5d: {  	_ =	shalt  }
0x5e: {  	_ =	shalt  }
0x5f: {  	_ =	shalt  }
0x60: {  	_ =	shalt  }
0x61: {  	_ =	shalt  }
0x62: {  	_ =	shalt  }
0x63: {  	_ =	shalt  }
0x64: {  	_ =	shalt  }
0x65: {  	_ =	shalt  }
0x66: {  	_ =	shalt  }
0x67: {  	_ =	shalt  }
0x68: {  	_ =	shalt  }
0x69: {  	_ =	shalt  }
0x6a: {  	_ =	shalt  }
0x6b: {  	_ =	shalt  }
0x6c: {  	_ =	shalt  }
0x6d: {  	_ =	shalt  }
0x6e: {  	_ =	shalt  }
0x6f: {  	_ =	shalt  }
0x70: {  	_ =	shalt  }
0x71: {  	_ =	shalt  }
0x72: {  	_ =	shalt  }
0x73: {  	_ =	shalt  }
0x74: {  	_ =	shalt  }
0x75: {  	_ =	shalt  }
0x76: {  	_ =	shalt  }
0x77: {  	_ =	shalt  }
0x78: {  	_ =	shalt  }
0x79: {  	_ =	shalt  }
0x7a: {  	_ =	shalt  }
0x7b: {  	_ =	shalt  }
0x7c: {  	_ =	shalt  }
0x7d: {  	_ =	shalt  }
0x7e: {  	_ =	shalt  }
0x7f: {  	_ =	shalt  }
0x80: {  	_ =	shalt  }
0x81: {  	_ =	shalt  }
0x82: {  	_ =	shalt  }
0x83: {  	_ =	shalt  }
0x84: {  	_ =	shalt  }
0x85: {  	_ =	shalt  }
0x86: {  	_ =	shalt  }
0x87: {  	_ =	shalt  }
.Lfunc_end0:
.L_simem_size_0:
called_computation.1_lowered:
.L_overlay_start_0:
0x88: {  	s2 =	sld [smem:$0x3FD9]  }
0x89: {  	s3 =	sld [smem:$0x3FFE];
	_ =	sdelay $0x1  }
0x8a: {  	s1 =	srdreg.scid  }
0x8b: {  	s0 =	sand.u32 $0x1, s1  }
0x8c: {  	s17 =	sshll.u32 s0, $0xA;
	s2 =	sadd.s32 s3, s2  }
0x8d: {  	s2 =	sadd.s32 s2, s17  }
0x8e: {  	[smem:$0x3FC0] =	sst s2  }
0x8f: {  	_ = 	snop  }
0x90: {  	s2 =	sld [smem:$0x3FD0];
	(tm) =	ssettm $0x1  }
0x91: {  	s18 =	sld [smem:$0x3FFB];
	_ =	sdelay $0x3  }
0x92: {  	_ =	strace s18  }
0x93: {  	s3 =	sld [smem:$0x3FFC];
	_ =	sdelay $0x3  }
0x94: {  	_ =	strace s3  }
0x95: {  	s3 =	sld [smem:$0x3FFD];
	_ =	sdelay $0x3  }
0x96: {  	_ =	strace s3  }
0x97: {  	_ =	strace $0x8FFFFFFF  }
0x98: {  	s19 =	sld [smem:$0x3FDB];
	_ =	sdelay $0x1  }
0x99: {  	s4 =	simm.s32 $_scs_section_size  }
0x9a: {  	s5 =	simm.s32 $_size__tile_overlayer_lowered;
	s6 =	simm.s32 $_tile_overlayer_lowered  }
0x9b: {  	s22 =	simm.s32 $0x1BFF;
	s21 =	sshll.u32 s6, $0x1;
	s3 =	sadd.s32 s4, s19  }
0x9c: {  	s7 =	simm.s32 $0x0;
	s20 =	sshll.u32 s5, $0x1;
	s5 =	sadd.s32 s21, s3  }
0x9d: {  	[timem:s7], [sflag:s22] =	dma.local [hbm:s5], s20  }
0x9e: {  	_ =	swait.ge [sflag:s22], s20  }
0x9f: {  	s4 =	ssub.s32 $0x0, s20;
	[sflag:s22] =	ssyncset.done $0x0  }
0xa0: {  	[sflag:s22] =	ssyncadd.s32 s4;
	_ =	sdelay $0x1  }
0xa1: {  	s23 =	simm.s32 $0x1B8B  }
0xa2: {  	_ =	swait.ge [sflag:s23], $0x1  }
0xa3: {  	[sflag:s23] =	ssyncset.done $0x0  }
0xa4: {  	s25 =	simm.s32 $0x1B8E;
	s24 =	sld [smem:$0x3FFE];
	[sflag:s23] =	ssyncadd.s32 $0xFFFFFFFF  }
0xa5: {  	s26 =	simm.s32 $execute0_lowered;
	[smem:$0x3FD2] =	sst s25  }
0xa6: {  	s5 =	sshll.u32 s26, $0x1;
	_ =	strace $0x80000049;
	[dreg:$0x1] =	wrdreg $0xFFFFFFFF  }
0xa7: {  	s28 =	simm.s32 $_size_execute0_lowered;
	s3 =	sadd.s32 s3, s5;
	[dreg:$0x0] =	wrdreg $0x0  }
0xa8: {  	s5 =	sshll.u32 s28, $0x1;
	[dreg:$0x2] =	wrdreg s3  }
0xa9: {  	[dreg:$0x3] =	wrdreg s5  }
0xaa: {  	[dreg:$0x4] =	wrdreg $0xC0  }
0xab: {  	_ =	task [dreg:s7], $0x5FFFF  }
0xac: {  	[dreg:$0x1] =	wrdreg $0xFFFFFFFF  }
0xad: {  	[dreg:$0x0] =	wrdreg $0x60  }
0xae: {  	[dreg:$0x2] =	wrdreg s24  }
0xaf: {  	[dreg:$0x3] =	wrdreg s2  }
0xb0: {  	[dreg:$0x4] =	wrdreg $0x0  }
0xb1: {  	[dreg:$0x5] =	wrdreg $0x9  }
0xb2: {  	_ =	task.clear_ibuf [dreg:s7], $0x6FFFF;
	_ =	strace $0x90000049  }
0xb3: {  	s29 =	simm.s32 $0x9;
	_ =	strace $0x8000004B  }
0xb4: {  	_ =	swait.ge [sflag:s29], $0x1  }
0xb5: {  	[sflag:s29] =	ssyncadd.s32 $0xFFFFFFFF  }
0xb6: {  	_ =	strace $0x9000004B  }
0xb7: {  	_ =	sfence  }
0xb8: {  	s30 =	sld [smem:$0x0];
	_ =	sdelay $0x2  }
0xb9: {  	s31 =	sshll.u32 s1, $0xD;
	s1 =	sshrl.u32 s1, $0x2  }
0xba: {  	s3 =	sand.u32 $0x4000, s31;
	s1 =	sadd.s32 s1, s30  }
0xbb: {  	s0 =	sor.u32 s3, s0;
	s1 =	sshll.u32 s1, $0x11  }
0xbc: {  	s0 =	sor.u32 s1, s0  }
0xbd: {  	s0 =	sadd.s32 $0x8F2B, s0  }
0xbe: {  	[sflag:s0] =	ssyncadd.remote.s32 $0x1  }
0xbf: {  	_ =	sfence.sel $0xFFFF  }
0xc0: {  	[dreg:$0x0] =	wrdreg $0xFFFFFFFF;
	(pc) =	sbr.abs _section_cstart, $3  }
0xc1: {  	[dreg:$0x1] =	wrdreg $0xFFFFFFFF  }
0xc2: {  	_ =	task.clear_ibuf [dreg:s7], $0x2FFFF;
	_ =	strace $0x9FFFFFFF  }
0xc3: {  	(tm) =	ssettm $0x7FFFFFFF  }
tec
execute0_lowered:
.L_overlay_start_1:
0x0: {  	(tag) =	ssettag $0x1  }
0x1: {  	s6 =	rddreg [dreg:$0x0]  }
0x2: {  	s14 =	rddreg [dreg:$0x1]  }
0x3: {  	s1 =	rddreg [dreg:$0x2]  }
0x4: {  	s0 =	rddreg [dreg:$0x3];
	s2 =	simm.s32 $0x0  }
0x5: {  	s5 =	srdreg.scid;
	s3 =	stileid.u32;
	s20 =	simm.s32 $0x17760  }
0x6: {  	s21 =	simm.s32 $0x60;
	s22 =	simm.s32 $0x1AEE0;
	s23 =	simm.s32 $0x18EA0  }
0x7: {  	s24 =	simm.s32 $0x19EC0;
	[smem:$0x7FF] =	sst s2;
	s4 =	sadd.s32 $0x7800, s6  }
0x8: {  	s13 =	sadd.s32 $0x1A00, s6;
	s17 =	sand.u32 $0x1, s5;
	s7 =	smul.u32 $0x2C04, s3  }
0x9: {  	s9 =	sadd.s32 $0x33800, s6;
	s10 =	sadd.s32 $0x37A00, s6;
	s12 =	smul.u32 $0x58080, s3  }
0xa: {  	s5 =	sadd.s32 $0x3BC00, s6;
	s15 =	smul.u32 $0x2040, s3;
	s28 =	sshll.u32 s3, $0x6  }
0xb: {  	s30 =	smul.u32 $0x2E80, s3;
	_ =	strace $0x8000004A;
	s11 =	ssub.s32 $0x2, s17  }
0xc: {  	s8 =	smul.u32 $0x2C040, s17;
	p0 =	sne.s32 s17, $0x0;
	s25 =	sshrl.u32 s11, $0x1  }
0xd: {  	s26 =	sshrl.u32 s12, $0x2;
	s29 =	sshrl.u32 s15, $0x3;
	s12 =	sshrl.u32 s30, $0x3  }
0xe: {  	s7 =	sadd.s32 s7, s8;
	s18 =	ssub.s32 s11, s25;
	s19 =	sadd.s32 s26, s1  }
0xf: {  	s8 =	sadd.s32 s10, s29;
	s11 =	sadd.s32 $0x204, s29;
	s31 =	sadd.s32 $0x2E8, s12  }
.Ltmp0:
0x10: {  	s16 =	sadd.s32 s7, s6;
	s6 =	sor.u32 $0x1C01, s28;
	(pc) =	sbr.rel .LBB2_1-.Ltmp0, $4  }
0x11: {  	s7 =	sadd.s32 s9, s29;
	s9 =	sadd.s32 s9, s11;
	s10 =	sadd.s32 s10, s11  }
0x12: {  	s11 =	sadd.s32 s13, s12;
	s12 =	sadd.s32 s14, s12;
	s13 =	sadd.s32 s13, s31  }
0x13: {  	s14 =	sadd.s32 s14, s31;
	s17 =	sshrl.u32 s19, $0x3;
	s19 =	simm.s32 $0x16020  }
0x14: {  	s15 =	sadd.s32 $0x3EA00, s16;
	s16 =	smax.u32 s18, $0x1;
	s18 =	simm.s32 $0x1  }
.LBB2_11:
0x15: {  	s26 =	sadd.s32 $0x18EA0, s25;
	[sflag:s18] =	ssyncadd.s32 $0xFFFFCA00  }
0x16: {  	[tilespmem:s22], [sflag:$0x1] =	stream.indirect.gather [hbm4b:s4+s21], $0x90, s26, s21, $0xb8;
	[tilespmem:$0x1E4E0] =	vst v63  }
0x17: {  	_ =	swait.ge [sflag:s18], $0x3600  }
0x18: {  	[sflag:s18] =	ssyncset.done $0x0  }
0x19: {  	s31 =	sadd.s32 $0x19EC0, s25;
	[sflag:s18] =	ssyncadd.s32 $0xFFFFCA00  }
0x1a: {  	[spmem:s1] =	stream.indirect.scatter.add.f32 [tilespmem:s22], [sflag:$0x1], $0x90, s31, s21, $0xb8;
	[tilespmem:$0x1E4E0] =	vst v63  }
0x1b: {  	_ =	swait.ge [sflag:s18], $0x3600  }
0x1c: {  	[sflag:s18] =	ssyncset.done $0x0  }
0x1d: {  	[sflag:s18] =	ssyncadd.s32 $0xFFFFCA00  }
.LBB2_12:
0x1e: {  	s2 =	sadd.s32 $0x1, s2  }
0x1f: {  	p1 =	sne.s32 s2, s16  }
.Ltmp1:
0x20: {  	[bflag:$0x0] =	sbarrier.arrive $0xFFFF;
	(pc) =	sbr.rel @!p1 .LBB2_13-.Ltmp1, $4  }
0x21: {  	[hbm:s15], [sflag:s6] =	dma.local [spmem:s17], $0x2C04  }
0x22: {  	_ =	swait.ge [sflag:s18], $0x2C04  }
0x23: {  	[sflag:s18] =	ssyncset.done $0x0  }
0x24: {  	[sflag:s18] =	ssyncadd.s32 $0xFFFFD3FC  }
.LBB2_1:
0x25: {  	[spmem:s17], [sflag:s6] =	dma.local [hbm:s5], $0x2C04  }
.Ltmp2:
0x26: {  	_ =	swait.ge [sflag:s18], $0x2C04;
	(pc) =	sbr.rel @p0 .LBB2_7-.Ltmp2, $4  }
0x27: {  	[sflag:s18] =	ssyncset.done $0x0  }
0x28: {  	[sflag:s18] =	ssyncadd.s32 $0xFFFFD3FC  }
0x29: {  	[bflag:$0x0] =	sbarrier.arrive $0xFFFF  }
0x2a: {  	s25 =	simm.s32 $0x0  }
0x2b: {  	[tilespmem:s19], [sflag:$0x1] =	stream.linear.gather [hbm4b:s11+s25], $0x1740, $0x38;
	[tilespmem:$0x1E4E0] =	vst v63  }
0x2c: {  	_ =	swait.ge [sflag:s18], $0x1740  }
0x2d: {  	[sflag:s18] =	ssyncset.done $0x0  }
0x2e: {  	[sflag:s18] =	ssyncadd.s32 $0xFFFFE8C0  }
0x2f: {  	[tilespmem:s20], [sflag:$0x1] =	stream.linear.gather [hbm4b:s12+s25], $0x1740, $0x38;
	[tilespmem:$0x1E4E0] =	vst v63  }
0x30: {  	_ =	swait.ge [sflag:s18], $0x1740  }
0x31: {  	[sflag:s18] =	ssyncset.done $0x0  }
0x32: {  	s30 =	simm.s32 $0x16020;
	[sflag:s18] =	ssyncadd.s32 $0xFFFFE8C0  }
0x33: {  	[tilespmem:s22], [sflag:$0x1] =	stream.indirect.gather [hbm4b:s4+s21], $0x90, s30, s21, $0xb8;
	[tilespmem:$0x1E4E0] =	vst v63  }
0x34: {  	_ =	swait.ge [sflag:s18], $0x3600  }
0x35: {  	[sflag:s18] =	ssyncset.done $0x0  }
0x36: {  	s31 =	simm.s32 $0x17760;
	[sflag:s18] =	ssyncadd.s32 $0xFFFFCA00  }
0x37: {  	[spmem:s1] =	stream.indirect.scatter.add.f32 [tilespmem:s22], [sflag:$0x1], $0x90, s31, s21, $0xb8;
	[tilespmem:$0x1E4E0] =	vst v63  }
0x38: {  	_ =	swait.ge [sflag:s18], $0x3600  }
0x39: {  	s26 =	simm.s32 $0x300;
	s25 =	simm.s32 $0x60;
	[sflag:s18] =	ssyncset.done $0x0  }
.LBB2_3:
0x3a: {  	s28 =	sadd.s32 $0x16020, s25  }
0x3b: {  	[sflag:s18] =	ssyncadd.s32 $0xFFFFCA00;
	s29 =	smov.u32 s26;
	s30 =	sadd.s32 $0x180, s26  }
0x3c: {  	[tilespmem:s22], [sflag:$0x1] =	stream.indirect.gather [hbm4b:s4+s21], $0x90, s28, s21, $0xb8;
	[tilespmem:$0x1E4E0] =	vst v63  }
0x3d: {  	p1 =	sne.s32 s26, $0x5B80;
	_ =	swait.ge [sflag:s18], $0x3600  }
.Ltmp3:
0x3e: {  	[sflag:s18] =	ssyncset.done $0x0;
	(pc) =	sbr.rel @p1 .LBB2_3-.Ltmp3, $4  }
0x3f: {  	s25 =	sadd.s32 $0x17760, s25;
	[sflag:s18] =	ssyncadd.s32 $0xFFFFCA00  }
0x40: {  	[spmem:s1] =	stream.indirect.scatter.add.f32 [tilespmem:s22], [sflag:$0x1], $0x90, s25, s21, $0xb8;
	[tilespmem:$0x1E4E0] =	vst v63  }
0x41: {  	_ =	swait.ge [sflag:s18], $0x3600  }
0x42: {  	s26 =	smov.u32 s30;
	s25 =	sshra.s32 s29, $0x2;
	[sflag:s18] =	ssyncset.done $0x0  }
0x43: {  	s26 =	sadd.s32 $0x16020, s25;
	[sflag:s18] =	ssyncadd.s32 $0xFFFFCA00  }
0x44: {  	[tilespmem:s22], [sflag:$0x1] =	stream.indirect.gather [hbm4b:s4+s21], $0x90, s26, s21, $0xb8;
	[tilespmem:$0x1E4E0] =	vst v63  }
0x45: {  	_ =	swait.ge [sflag:s18], $0x3600  }
0x46: {  	[sflag:s18] =	ssyncset.done $0x0  }
0x47: {  	s28 =	sadd.s32 $0x17760, s25;
	[sflag:s18] =	ssyncadd.s32 $0xFFFFCA00  }
0x48: {  	[spmem:s1] =	stream.indirect.scatter.add.f32 [tilespmem:s22], [sflag:$0x1], $0x90, s28, s21, $0xb8;
	[tilespmem:$0x1E4E0] =	vst v63  }
0x49: {  	_ =	swait.ge [sflag:s18], $0x3600  }
0x4a: {  	[sflag:s18] =	ssyncset.done $0x0  }
0x4b: {  	s29 =	simm.s32 $0x0;
	[sflag:s18] =	ssyncadd.s32 $0xFFFFCA00  }
0x4c: {  	[tilespmem:s19], [sflag:$0x1] =	stream.linear.gather [hbm4b:s13+s29], $0x1740, $0x38;
	[tilespmem:$0x1E4E0] =	vst v63  }
0x4d: {  	_ =	swait.ge [sflag:s18], $0x1740  }
0x4e: {  	[sflag:s18] =	ssyncset.done $0x0  }
0x4f: {  	[sflag:s18] =	ssyncadd.s32 $0xFFFFE8C0  }
0x50: {  	[tilespmem:s20], [sflag:$0x1] =	stream.linear.gather [hbm4b:s14+s29], $0x1740, $0x38;
	[tilespmem:$0x1E4E0] =	vst v63  }
0x51: {  	_ =	swait.ge [sflag:s18], $0x1740  }
0x52: {  	[sflag:s18] =	ssyncset.done $0x0  }
0x53: {  	s30 =	simm.s32 $0x16020;
	[sflag:s18] =	ssyncadd.s32 $0xFFFFE8C0  }
0x54: {  	[tilespmem:s22], [sflag:$0x1] =	stream.indirect.gather [hbm4b:s4+s21], $0x90, s30, s21, $0xb8;
	[tilespmem:$0x1E4E0] =	vst v63  }
0x55: {  	_ =	swait.ge [sflag:s18], $0x3600  }
0x56: {  	[sflag:s18] =	ssyncset.done $0x0  }
0x57: {  	s31 =	simm.s32 $0x17760;
	[sflag:s18] =	ssyncadd.s32 $0xFFFFCA00  }
0x58: {  	[spmem:s1] =	stream.indirect.scatter.add.f32 [tilespmem:s22], [sflag:$0x1], $0x90, s31, s21, $0xb8;
	[tilespmem:$0x1E4E0] =	vst v63  }
0x59: {  	_ =	swait.ge [sflag:s18], $0x3600  }
0x5a: {  	s25 =	simm.s32 $0x60;
	s26 =	simm.s32 $0x300;
	[sflag:s18] =	ssyncset.done $0x0  }
.LBB2_5:
0x5b: {  	s28 =	sadd.s32 $0x16020, s25  }
0x5c: {  	[sflag:s18] =	ssyncadd.s32 $0xFFFFCA00;
	s29 =	smov.u32 s26;
	s30 =	sadd.s32 $0x180, s26  }
0x5d: {  	[tilespmem:s22], [sflag:$0x1] =	stream.indirect.gather [hbm4b:s4+s21], $0x90, s28, s21, $0xb8;
	[tilespmem:$0x1E4E0] =	vst v63  }
0x5e: {  	p1 =	seq.s32 s26, $0x5B80;
	_ =	swait.ge [sflag:s18], $0x3600  }
.Ltmp4:
0x5f: {  	[sflag:s18] =	ssyncset.done $0x0;
	(pc) =	sbr.rel @!p1 .LBB2_5-.Ltmp4, $4  }
0x60: {  	s25 =	sadd.s32 $0x17760, s25;
	[sflag:s18] =	ssyncadd.s32 $0xFFFFCA00  }
0x61: {  	[spmem:s1] =	stream.indirect.scatter.add.f32 [tilespmem:s22], [sflag:$0x1], $0x90, s25, s21, $0xb8;
	[tilespmem:$0x1E4E0] =	vst v63  }
0x62: {  	_ =	swait.ge [sflag:s18], $0x3600  }
0x63: {  	s26 =	smov.u32 s30;
	s25 =	sshra.s32 s29, $0x2;
	[sflag:s18] =	ssyncset.done $0x0  }
0x64: {  	s26 =	sadd.s32 $0x16020, s25;
	[sflag:s18] =	ssyncadd.s32 $0xFFFFCA00  }
0x65: {  	[tilespmem:s22], [sflag:$0x1] =	stream.indirect.gather [hbm4b:s4+s21], $0x90, s26, s21, $0xb8;
	[tilespmem:$0x1E4E0] =	vst v63  }
0x66: {  	_ =	swait.ge [sflag:s18], $0x3600  }
0x67: {  	[sflag:s18] =	ssyncset.done $0x0  }
.Ltmp5:
0x68: {  	s31 =	sadd.s32 $0x17760, s25;
	[sflag:s18] =	ssyncadd.s32 $0xFFFFCA00;
	(pc) =	sbr.rel .LBB2_12-.Ltmp5, $4  }
0x69: {  	[spmem:s1] =	stream.indirect.scatter.add.f32 [tilespmem:s22], [sflag:$0x1], $0x90, s31, s21, $0xb8;
	[tilespmem:$0x1E4E0] =	vst v63  }
0x6a: {  	_ =	swait.ge [sflag:s18], $0x3600  }
0x6b: {  	[sflag:s18] =	ssyncset.done $0x0  }
0x6c: {  	[sflag:s18] =	ssyncadd.s32 $0xFFFFCA00  }
.LBB2_7:
0x6d: {  	[tilespmem:s23], [sflag:$0x1] =	stream.linear.gather [hbm4b:s7+s25], $0x1020, $0x38;
	[tilespmem:$0x1E4E0] =	vst v63  }
0x6e: {  	_ =	swait.ge [sflag:s18], $0x1020  }
0x6f: {  	[sflag:s18] =	ssyncset.done $0x0  }
0x70: {  	[sflag:s18] =	ssyncadd.s32 $0xFFFFEFE0  }
0x71: {  	[tilespmem:s24], [sflag:$0x1] =	stream.linear.gather [hbm4b:s8+s25], $0x1020, $0x38;
	[tilespmem:$0x1E4E0] =	vst v63  }
0x72: {  	_ =	swait.ge [sflag:s18], $0x1020  }
0x73: {  	[sflag:s18] =	ssyncset.done $0x0  }
0x74: {  	s30 =	simm.s32 $0x18EA0;
	[sflag:s18] =	ssyncadd.s32 $0xFFFFEFE0  }
0x75: {  	[tilespmem:s22], [sflag:$0x1] =	stream.indirect.gather [hbm4b:s4+s21], $0x90, s30, s21, $0xb8;
	[tilespmem:$0x1E4E0] =	vst v63  }
0x76: {  	_ =	swait.ge [sflag:s18], $0x3600  }
0x77: {  	[sflag:s18] =	ssyncset.done $0x0  }
0x78: {  	s31 =	simm.s32 $0x19EC0;
	[sflag:s18] =	ssyncadd.s32 $0xFFFFCA00  }
0x79: {  	[spmem:s1] =	stream.indirect.scatter.add.f32 [tilespmem:s22], [sflag:$0x1], $0x90, s31, s21, $0xb8;
	[tilespmem:$0x1E4E0] =	vst v63  }
0x7a: {  	_ =	swait.ge [sflag:s18], $0x3600  }
0x7b: {  	s26 =	simm.s32 $0x300;
	s25 =	simm.s32 $0x60;
	[sflag:s18] =	ssyncset.done $0x0  }
.LBB2_8:
0x7c: {  	s28 =	sadd.s32 $0x18EA0, s25  }
0x7d: {  	[sflag:s18] =	ssyncadd.s32 $0xFFFFCA00;
	s29 =	smov.u32 s26;
	s30 =	sadd.s32 $0x180, s26  }
0x7e: {  	[tilespmem:s22], [sflag:$0x1] =	stream.indirect.gather [hbm4b:s4+s21], $0x90, s28, s21, $0xb8;
	[tilespmem:$0x1E4E0] =	vst v63  }
0x7f: {  	p1 =	sne.s32 s26, $0x3F00;
	_ =	swait.ge [sflag:s18], $0x3600  }
.Ltmp6:
0x80: {  	[sflag:s18] =	ssyncset.done $0x0;
	(pc) =	sbr.rel @p1 .LBB2_8-.Ltmp6, $4  }
0x81: {  	s25 =	sadd.s32 $0x19EC0, s25;
	[sflag:s18] =	ssyncadd.s32 $0xFFFFCA00  }
0x82: {  	[spmem:s1] =	stream.indirect.scatter.add.f32 [tilespmem:s22], [sflag:$0x1], $0x90, s25, s21, $0xb8;
	[tilespmem:$0x1E4E0] =	vst v63  }
0x83: {  	_ =	swait.ge [sflag:s18], $0x3600  }
0x84: {  	s26 =	smov.u32 s30;
	s25 =	sshra.s32 s29, $0x2;
	[sflag:s18] =	ssyncset.done $0x0  }
0x85: {  	s26 =	sadd.s32 $0x18EA0, s25;
	[sflag:s18] =	ssyncadd.s32 $0xFFFFCA00  }
0x86: {  	[tilespmem:s22], [sflag:$0x1] =	stream.indirect.gather [hbm4b:s4+s21], $0x90, s26, s21, $0xb8;
	[tilespmem:$0x1E4E0] =	vst v63  }
0x87: {  	_ =	swait.ge [sflag:s18], $0x3600  }
0x88: {  	[sflag:s18] =	ssyncset.done $0x0  }
0x89: {  	s28 =	sadd.s32 $0x19EC0, s25;
	[sflag:s18] =	ssyncadd.s32 $0xFFFFCA00  }
0x8a: {  	[spmem:s1] =	stream.indirect.scatter.add.f32 [tilespmem:s22], [sflag:$0x1], $0x90, s28, s21, $0xb8;
	[tilespmem:$0x1E4E0] =	vst v63  }
0x8b: {  	_ =	swait.ge [sflag:s18], $0x3600  }
0x8c: {  	[sflag:s18] =	ssyncset.done $0x0  }
0x8d: {  	s29 =	simm.s32 $0x0;
	[sflag:s18] =	ssyncadd.s32 $0xFFFFCA00  }
0x8e: {  	[tilespmem:s23], [sflag:$0x1] =	stream.linear.gather [hbm4b:s9+s29], $0x1020, $0x38;
	[tilespmem:$0x1E4E0] =	vst v63  }
0x8f: {  	_ =	swait.ge [sflag:s18], $0x1020  }
0x90: {  	[sflag:s18] =	ssyncset.done $0x0  }
0x91: {  	[sflag:s18] =	ssyncadd.s32 $0xFFFFEFE0  }
0x92: {  	[tilespmem:s24], [sflag:$0x1] =	stream.linear.gather [hbm4b:s10+s29], $0x1020, $0x38;
	[tilespmem:$0x1E4E0] =	vst v63  }
0x93: {  	_ =	swait.ge [sflag:s18], $0x1020  }
0x94: {  	[sflag:s18] =	ssyncset.done $0x0  }
0x95: {  	s30 =	simm.s32 $0x18EA0;
	[sflag:s18] =	ssyncadd.s32 $0xFFFFEFE0  }
0x96: {  	[tilespmem:s22], [sflag:$0x1] =	stream.indirect.gather [hbm4b:s4+s21], $0x90, s30, s21, $0xb8;
	[tilespmem:$0x1E4E0] =	vst v63  }
0x97: {  	_ =	swait.ge [sflag:s18], $0x3600  }
0x98: {  	[sflag:s18] =	ssyncset.done $0x0  }
0x99: {  	s31 =	simm.s32 $0x19EC0;
	[sflag:s18] =	ssyncadd.s32 $0xFFFFCA00  }
0x9a: {  	[spmem:s1] =	stream.indirect.scatter.add.f32 [tilespmem:s22], [sflag:$0x1], $0x90, s31, s21, $0xb8;
	[tilespmem:$0x1E4E0] =	vst v63  }
0x9b: {  	_ =	swait.ge [sflag:s18], $0x3600  }
0x9c: {  	s25 =	simm.s32 $0x60;
	s26 =	simm.s32 $0x300;
	[sflag:s18] =	ssyncset.done $0x0  }
.LBB2_10:
0x9d: {  	s28 =	sadd.s32 $0x18EA0, s25  }
0x9e: {  	[sflag:s18] =	ssyncadd.s32 $0xFFFFCA00;
	s29 =	smov.u32 s26;
	s30 =	sadd.s32 $0x180, s26  }
0x9f: {  	[tilespmem:s22], [sflag:$0x1] =	stream.indirect.gather [hbm4b:s4+s21], $0x90, s28, s21, $0xb8;
	[tilespmem:$0x1E4E0] =	vst v63  }
0xa0: {  	p1 =	sne.s32 s26, $0x3F00;
	_ =	swait.ge [sflag:s18], $0x3600  }
.Ltmp7:
0xa1: {  	[sflag:s18] =	ssyncset.done $0x0;
	(pc) =	sbr.rel @p1 .LBB2_10-.Ltmp7, $4  }
0xa2: {  	s25 =	sadd.s32 $0x19EC0, s25;
	[sflag:s18] =	ssyncadd.s32 $0xFFFFCA00  }
0xa3: {  	[spmem:s1] =	stream.indirect.scatter.add.f32 [tilespmem:s22], [sflag:$0x1], $0x90, s25, s21, $0xb8;
	[tilespmem:$0x1E4E0] =	vst v63  }
0xa4: {  	_ =	swait.ge [sflag:s18], $0x3600  }
0xa5: {  	s26 =	smov.u32 s30;
	s25 =	sshra.s32 s29, $0x2;
	[sflag:s18] =	ssyncset.done $0x0  }
.Ltmp8:
0xa6: {  	_ = 	snop;
	(pc) =	sbr.rel .LBB2_11-.Ltmp8, $1  }
0xa7: {  	_ =	sdelay $0x3  }
.LBB2_13:
0xa8: {  	_ =	sfence.sel $0x180000  }
0xa9: {  	[bflag:$0x0] =	sbarrier.arrive $0xFFFF  }
0xaa: {  	p0 =	sne.s32 s3, $0x0;
	_ =	strace $0x9000004A  }
0xab: {  	s0 =	sadd.s32 @!p0 $0x100000, s0;
	[bflag:$0x2] =	sbarrier.arrive $0xFFFF  }
0xac: {  	[sflag:s0] =	ssyncadd.tile.s32 @!p0 $0x1;
	_ =	shalt  }
.Lfunc_end2:
_tile_overlayer_lowered:
.L_overlay_start_2:
0xad: {  	(tag) =	ssettag $0x2  }
0xae: {  	s0 =	rddreg [dreg:$0x0];
	s2 =	stileid.u32  }
0xaf: {  	s1 =	rddreg [dreg:$0x1];
	p0 =	sne.s32 s2, $0x0  }
0xb0: {  	s3 =	rddreg [dreg:$0x2];
	[bflag:$0x3] =	sbarrier.arrive $0xFFFF;
	s2 =	simm.s32 @!p0 $0x1C01  }
0xb1: {  	[timem:s3], [sflag:s2] =	dma.local @!p0 [hbm:s0], s1  }
0xb2: {  	s0 =	simm.s32 @!p0 $0x1  }
0xb3: {  	_ =	swait.ge @!p0 [sflag:s0], s1  }
0xb4: {  	s1 =	ssub.s32 @!p0 $0x0, s1;
	[sflag:s0] =	ssyncset.done @!p0 $0x0  }
0xb5: {  	[sflag:s0] =	ssyncadd.s32 @!p0 s1  }
0xb6: {  	[bflag:$0x3] =	sbarrier.arrive $0xFFFF  }
0xb7: {  	_ =	shalt  }

// kernel: kernel.7.cloned.1.call-start
scs
__scs_entry_jumppad:
0x0: {  	(pc) =	sbr.rel $0x88, $3  }
0x1: {  	(tag) =	ssettag $0x0;
	lr =	simm.s32 $0x1  }
0x2: {  	[smem:$0x3F99] =	sst lr;
	_ =	strace $0xD0000000  }
0x3: {  	_ = 	snop  }
0x4: {  	_ = 	snop  }
0x5: {  	_ = 	snop  }
0x6: {  	_ = 	snop  }
0x7: {  	_ = 	snop  }
__scs_overlays_trampoline_lowered:
0x8: {  	[smem:$0x3FA8] =	sst s0  }
0x9: {  	[smem:$0x3FA9] =	sst s1  }
0xa: {  	[smem:$0x3FAA] =	sst s2  }
0xb: {  	[smem:$0x3FAB] =	sst s3  }
0xc: {  	[smem:$0x3FAC] =	sst s4  }
0xd: {  	[smem:$0x3FAD] =	sst s5  }
0xe: {  	[smem:$0x3FAE] =	sst s6  }
0xf: {  	[smem:$0x3FAF] =	sst s7  }
0x10: {  	[smem:$0x3FB0] =	sst s8  }
0x11: {  	[smem:$0x3FB1] =	sst s9;
	s0 =	simm.s32 @!p0 $0x0  }
0x12: {  	s1 =	sld [smem:$0x3F97];
	s0 =	simm.s32 @p0 $0x1  }
0x13: {  	[smem:$0x3FB2] =	sst s0;
	s0 =	simm.s32 @!p1 $0x0  }
0x14: {  	s2 =	sld [smem:$0x3F96];
	s0 =	simm.s32 @p1 $0x1  }
0x15: {  	[smem:$0x3FB3] =	sst s0;
	s0 =	simm.s32 @!p2 $0x0  }
0x16: {  	s3 =	sld [smem:$0x3FDB];
	s0 =	simm.s32 @p2 $0x1  }
0x17: {  	s4 =	simm.s32 $0x1BF5;
	[smem:$0x3FB5] =	sst s0  }
0x18: {  	s0 =	sld [smem:$0x3F98];
	_ =	swait.ge [sflag:s4], $0x0  }
0x19: {  	s7 =	sld [smem:$0x3F99]  }
0x1a: {  	s8 =	sadd.s32 $0xFFFFE003, lr  }
0x1b: {  	s9 =	sadd.s32 $0xFFFFFEF7, lr;
	s5 =	simm.s32 $0xFFFFFFFF;
	p2 =	slt.u32 s8, $0xFFFFF086  }
0x1c: {  	p1 =	slt.u32 s9, $0xF7A;
	s5 =	simm.s32 @!p2 $0x0  }
0x1d: {  	s5 =	simm.s32 @p1 $0x1;
	p0 =	seq.s32 s7, s2  }
0x1e: {  	s7 =	smul.u32 @!p0 $0xF7A, s2;
	p2 =	seq.s32 @!p0 s5, $0x0  }
0x1f: {  	s9 =	smul.u32 $0xF7A, s1;
	s8 =	simm.s32 @!p0 $0x1BF5;
	p2 =	por !p2, p0  }
0x20: {  	[sflag:s8] =	ssyncset.s32 @!p0 $0xFFFFF086;
	s6 =	sadd.s32 @!p0 s3, s7;
	s7 =	simm.s32 @!p0 $0x108  }
0x21: {  	s3 =	sadd.s32 s3, s9;
	s6 =	sadd.s32 @!p0 $0x88, s6;
	s7 =	simm.s32 @p2 $0x1082  }
0x22: {  	[simem:s7], [sflag:s8] =	dma.local @!p0 [hbm:s6], $0xF7A  }
0x23: {  	s9 =	sor.u32 $0xD0000000, s2;
	s6 =	simm.s32 $0x108;
	_ =	swait.ge @!p0 [sflag:s8], $0x0  }
0x24: {  	s3 =	sadd.s32 $0x88, s3;
	s6 =	simm.s32 @!p1 $0x1082;
	[sflag:s4] =	ssyncset.s32 $0xFFFFF086  }
0x25: {  	[simem:s6], [sflag:s4] =	dma.local [hbm:s3], $0xF7A  }
0x26: {  	[smem:$0x3F99] =	sst s1;
	(tag) =	ssettag s2;
	_ =	strace s9  }
0x27: {  	s1 =	sld [smem:$0x3FA9]  }
0x28: {  	s2 =	sld [smem:$0x3FAA]  }
0x29: {  	s4 =	sld [smem:$0x3FAC]  }
0x2a: {  	p0 =	seq.s32 s5, $0x0;
	s5 =	sld [smem:$0x3FAD]  }
0x2b: {  	s6 =	sld [smem:$0x3FAE]  }
0x2c: {  	s7 =	sld [smem:$0x3FAF]  }
0x2d: {  	s3 =	simm.s32 $0x108;
	s8 =	sld [smem:$0x3FB0]  }
0x2e: {  	s3 =	simm.s32 @!p0 $0x1082;
	s9 =	sld [smem:$0x3FB1]  }
0x2f: {  	lr =	sadd.s32 s0, s3;
	s0 =	sld [smem:$0x3FA8]  }
0x30: {  	s3 =	sld [smem:$0x3FAB]  }
0x31: {  	[smem:$0x3FB4] =	sst s10  }
0x32: {  	s10 =	sld [smem:$0x3FB2];
	_ =	sdelay $0x3  }
0x33: {  	p0 =	seq.s32 s10, $0x1;
	s10 =	sld [smem:$0x3FB4];
	_ =	sdelay $0x3  }
0x34: {  	[smem:$0x3FB4] =	sst s10  }
0x35: {  	s10 =	sld [smem:$0x3FB3];
	_ =	sdelay $0x3  }
0x36: {  	p1 =	seq.s32 s10, $0x1;
	s10 =	sld [smem:$0x3FB4];
	_ =	sdelay $0x3  }
0x37: {  	[smem:$0x3FB4] =	sst s10  }
0x38: {  	s10 =	sld [smem:$0x3FB5]  }
0x39: {  	_ = 	snop;
	(pc) =	sbr.ind lr, $3  }
0x3a: {  	_ = 	snop  }
0x3b: {  	_ = 	snop  }
0x3c: {  	p2 =	seq.s32 s10, $0x1;
	s10 =	sld [smem:$0x3FB4]  }
0x3d: {  	_ =	shalt  }
0x3e: {  	_ =	shalt  }
0x3f: {  	_ =	shalt  }
0x40: {  	_ =	shalt  }
0x41: {  	_ =	shalt  }
0x42: {  	_ =	shalt  }
0x43: {  	_ =	shalt  }
0x44: {  	_ =	shalt  }
0x45: {  	_ =	shalt  }
0x46: {  	_ =	shalt  }
0x47: {  	_ =	shalt  }
0x48: {  	_ =	shalt  }
0x49: {  	_ =	shalt  }
0x4a: {  	_ =	shalt  }
0x4b: {  	_ =	shalt  }
0x4c: {  	_ =	shalt  }
0x4d: {  	_ =	shalt  }
0x4e: {  	_ =	shalt  }
0x4f: {  	_ =	shalt  }
0x50: {  	_ =	shalt  }
0x51: {  	_ =	shalt  }
0x52: {  	_ =	shalt  }
0x53: {  	_ =	shalt  }
0x54: {  	_ =	shalt  }
0x55: {  	_ =	shalt  }
0x56: {  	_ =	shalt  }
0x57: {  	_ =	shalt  }
0x58: {  	_ =	shalt  }
0x59: {  	_ =	shalt  }
0x5a: {  	_ =	shalt  }
0x5b: {  	_ =	shalt  }
0x5c: {  	_ =	shalt  }
0x5d: {  	_ =	shalt  }
0x5e: {  	_ =	shalt  }
0x5f: {  	_ =	shalt  }
0x60: {  	_ =	shalt  }
0x61: {  	_ =	shalt  }
0x62: {  	_ =	shalt  }
0x63: {  	_ =	shalt  }
0x64: {  	_ =	shalt  }
0x65: {  	_ =	shalt  }
0x66: {  	_ =	shalt  }
0x67: {  	_ =	shalt  }
0x68: {  	_ =	shalt  }
0x69: {  	_ =	shalt  }
0x6a: {  	_ =	shalt  }
0x6b: {  	_ =	shalt  }
0x6c: {  	_ =	shalt  }
0x6d: {  	_ =	shalt  }
0x6e: {  	_ =	shalt  }
0x6f: {  	_ =	shalt  }
0x70: {  	_ =	shalt  }
0x71: {  	_ =	shalt  }
0x72: {  	_ =	shalt  }
0x73: {  	_ =	shalt  }
0x74: {  	_ =	shalt  }
0x75: {  	_ =	shalt  }
0x76: {  	_ =	shalt  }
0x77: {  	_ =	shalt  }
0x78: {  	_ =	shalt  }
0x79: {  	_ =	shalt  }
0x7a: {  	_ =	shalt  }
0x7b: {  	_ =	shalt  }
0x7c: {  	_ =	shalt  }
0x7d: {  	_ =	shalt  }
0x7e: {  	_ =	shalt  }
0x7f: {  	_ =	shalt  }
0x80: {  	_ =	shalt  }
0x81: {  	_ =	shalt  }
0x82: {  	_ =	shalt  }
0x83: {  	_ =	shalt  }
0x84: {  	_ =	shalt  }
0x85: {  	_ =	shalt  }
0x86: {  	_ =	shalt  }
0x87: {  	_ =	shalt  }
.Lfunc_end0:
.L_simem_size_0:
called_computation_lowered:
.L_overlay_start_0:
0x88: {  	s2 =	sld [smem:$0x3FD9]  }
0x89: {  	s3 =	sld [smem:$0x3FFE];
	_ =	sdelay $0x1  }
0x8a: {  	s1 =	srdreg.scid  }
0x8b: {  	s0 =	sand.u32 $0x1, s1  }
0x8c: {  	s17 =	sshll.u32 s0, $0xA;
	s2 =	sadd.s32 s3, s2  }
0x8d: {  	s2 =	sadd.s32 s2, s17  }
0x8e: {  	[smem:$0x3FC0] =	sst s2  }
0x8f: {  	_ = 	snop  }
0x90: {  	s2 =	sld [smem:$0x3FD0];
	(tm) =	ssettm $0x1  }
0x91: {  	s18 =	sld [smem:$0x3FFB];
	_ =	sdelay $0x3  }
0x92: {  	_ =	strace s18  }
0x93: {  	s3 =	sld [smem:$0x3FFC];
	_ =	sdelay $0x3  }
0x94: {  	_ =	strace s3  }
0x95: {  	s3 =	sld [smem:$0x3FFD];
	_ =	sdelay $0x3  }
0x96: {  	_ =	strace s3  }
0x97: {  	_ =	strace $0x8FFFFFFF  }
0x98: {  	s19 =	sld [smem:$0x3FDB];
	_ =	sdelay $0x1  }
0x99: {  	s4 =	simm.s32 $_scs_section_size  }
0x9a: {  	s5 =	simm.s32 $_size__tile_overlayer_lowered;
	s6 =	simm.s32 $_tile_overlayer_lowered  }
0x9b: {  	s22 =	simm.s32 $0x1BFF;
	s21 =	sshll.u32 s6, $0x1;
	s3 =	sadd.s32 s4, s19  }
0x9c: {  	s7 =	simm.s32 $0x0;
	s20 =	sshll.u32 s5, $0x1;
	s5 =	sadd.s32 s21, s3  }
0x9d: {  	[timem:s7], [sflag:s22] =	dma.local [hbm:s5], s20  }
0x9e: {  	_ =	swait.ge [sflag:s22], s20  }
0x9f: {  	s4 =	ssub.s32 $0x0, s20;
	[sflag:s22] =	ssyncset.done $0x0  }
0xa0: {  	[sflag:s22] =	ssyncadd.s32 s4;
	_ =	sdelay $0x1  }
0xa1: {  	s23 =	simm.s32 $0x1B8B  }
0xa2: {  	_ =	swait.ge [sflag:s23], $0x1  }
0xa3: {  	[sflag:s23] =	ssyncset.done $0x0  }
0xa4: {  	s25 =	simm.s32 $0x1B8E;
	s24 =	sld [smem:$0x3FFE];
	[sflag:s23] =	ssyncadd.s32 $0xFFFFFFFF  }
0xa5: {  	s26 =	simm.s32 $execute0_lowered;
	[smem:$0x3FD2] =	sst s25  }
0xa6: {  	s5 =	sshll.u32 s26, $0x1;
	_ =	strace $0x80000046;
	[dreg:$0x1] =	wrdreg $0xFFFFFFFF  }
0xa7: {  	s28 =	simm.s32 $_size_execute0_lowered;
	s3 =	sadd.s32 s3, s5;
	[dreg:$0x0] =	wrdreg $0x0  }
0xa8: {  	s5 =	sshll.u32 s28, $0x1;
	[dreg:$0x2] =	wrdreg s3  }
0xa9: {  	[dreg:$0x3] =	wrdreg s5  }
0xaa: {  	[dreg:$0x4] =	wrdreg $0xC0  }
0xab: {  	_ =	task [dreg:s7], $0x5FFFF  }
0xac: {  	[dreg:$0x1] =	wrdreg $0xFFFFFFFF  }
0xad: {  	[dreg:$0x0] =	wrdreg $0x60  }
0xae: {  	[dreg:$0x2] =	wrdreg s24  }
0xaf: {  	[dreg:$0x3] =	wrdreg s2  }
0xb0: {  	[dreg:$0x4] =	wrdreg $0x0  }
0xb1: {  	[dreg:$0x5] =	wrdreg $0x9  }
0xb2: {  	_ =	task.clear_ibuf [dreg:s7], $0x6FFFF;
	_ =	strace $0x90000046  }
0xb3: {  	s29 =	simm.s32 $0x9;
	_ =	strace $0x80000048  }
0xb4: {  	_ =	swait.ge [sflag:s29], $0x1  }
0xb5: {  	[sflag:s29] =	ssyncadd.s32 $0xFFFFFFFF  }
0xb6: {  	_ =	strace $0x90000048  }
0xb7: {  	_ =	sfence  }
0xb8: {  	s30 =	sld [smem:$0x0];
	_ =	sdelay $0x2  }
0xb9: {  	s31 =	sshll.u32 s1, $0xD;
	s1 =	sshrl.u32 s1, $0x2  }
0xba: {  	s3 =	sand.u32 $0x4000, s31;
	s1 =	sadd.s32 s1, s30  }
0xbb: {  	s0 =	sor.u32 s3, s0;
	s1 =	sshll.u32 s1, $0x11  }
0xbc: {  	s0 =	sor.u32 s1, s0  }
0xbd: {  	s0 =	sadd.s32 $0x8F2B, s0  }
0xbe: {  	[sflag:s0] =	ssyncadd.remote.s32 $0x1  }
0xbf: {  	_ =	sfence.sel $0xFFFF  }
0xc0: {  	[dreg:$0x0] =	wrdreg $0xFFFFFFFF;
	(pc) =	sbr.abs _section_cstart, $3  }
0xc1: {  	[dreg:$0x1] =	wrdreg $0xFFFFFFFF  }
0xc2: {  	_ =	task.clear_ibuf [dreg:s7], $0x2FFFF;
	_ =	strace $0x9FFFFFFF  }
0xc3: {  	(tm) =	ssettm $0x7FFFFFFF  }
tec
execute0_lowered:
.L_overlay_start_1:
0x0: {  	(tag) =	ssettag $0x1  }
0x1: {  	s6 =	rddreg [dreg:$0x0]  }
0x2: {  	s14 =	rddreg [dreg:$0x1]  }
0x3: {  	s1 =	rddreg [dreg:$0x2]  }
0x4: {  	s0 =	rddreg [dreg:$0x3];
	s2 =	simm.s32 $0x0  }
0x5: {  	s5 =	srdreg.scid;
	s3 =	stileid.u32;
	s20 =	simm.s32 $0x17760  }
0x6: {  	s21 =	simm.s32 $0x60;
	s22 =	simm.s32 $0x1AEE0;
	s23 =	simm.s32 $0x18EA0  }
0x7: {  	s24 =	simm.s32 $0x19EC0;
	[smem:$0x7FF] =	sst s2;
	s4 =	sadd.s32 $0x7800, s6  }
0x8: {  	s13 =	sadd.s32 $0x1A00, s6;
	s17 =	sand.u32 $0x1, s5;
	s7 =	smul.u32 $0x2C04, s3  }
0x9: {  	s9 =	sadd.s32 $0x33800, s6;
	s10 =	sadd.s32 $0x37A00, s6;
	s12 =	smul.u32 $0x58080, s3  }
0xa: {  	s5 =	sadd.s32 $0x3BC00, s6;
	s15 =	smul.u32 $0x2040, s3;
	s28 =	sshll.u32 s3, $0x6  }
0xb: {  	s30 =	smul.u32 $0x2E80, s3;
	_ =	strace $0x80000047;
	s11 =	ssub.s32 $0x2, s17  }
0xc: {  	s8 =	smul.u32 $0x2C040, s17;
	p0 =	sne.s32 s17, $0x0;
	s25 =	sshrl.u32 s11, $0x1  }
0xd: {  	s26 =	sshrl.u32 s12, $0x2;
	s29 =	sshrl.u32 s15, $0x3;
	s12 =	sshrl.u32 s30, $0x3  }
0xe: {  	s7 =	sadd.s32 s7, s8;
	s18 =	ssub.s32 s11, s25;
	s19 =	sadd.s32 s26, s1  }
0xf: {  	s8 =	sadd.s32 s10, s29;
	s11 =	sadd.s32 $0x204, s29;
	s31 =	sadd.s32 $0x2E8, s12  }
.Ltmp0:
0x10: {  	s16 =	sadd.s32 s7, s6;
	s6 =	sor.u32 $0x1C01, s28;
	(pc) =	sbr.rel .LBB2_1-.Ltmp0, $4  }
0x11: {  	s7 =	sadd.s32 s9, s29;
	s9 =	sadd.s32 s9, s11;
	s10 =	sadd.s32 s10, s11  }
0x12: {  	s11 =	sadd.s32 s13, s12;
	s12 =	sadd.s32 s14, s12;
	s13 =	sadd.s32 s13, s31  }
0x13: {  	s14 =	sadd.s32 s14, s31;
	s17 =	sshrl.u32 s19, $0x3;
	s19 =	simm.s32 $0x16020  }
0x14: {  	s15 =	sadd.s32 $0x3EA00, s16;
	s16 =	smax.u32 s18, $0x1;
	s18 =	simm.s32 $0x1  }
.LBB2_11:
0x15: {  	s26 =	sadd.s32 $0x18EA0, s25;
	[sflag:s18] =	ssyncadd.s32 $0xFFFFCA00  }
0x16: {  	[tilespmem:s22], [sflag:$0x1] =	stream.indirect.gather [hbm4b:s4+s21], $0x90, s26, s21, $0xb8;
	[tilespmem:$0x1E4E0] =	vst v63  }
0x17: {  	_ =	swait.ge [sflag:s18], $0x3600  }
0x18: {  	[sflag:s18] =	ssyncset.done $0x0  }
0x19: {  	s31 =	sadd.s32 $0x19EC0, s25;
	[sflag:s18] =	ssyncadd.s32 $0xFFFFCA00  }
0x1a: {  	[spmem:s1] =	stream.indirect.scatter.add.f32 [tilespmem:s22], [sflag:$0x1], $0x90, s31, s21, $0xb8;
	[tilespmem:$0x1E4E0] =	vst v63  }
0x1b: {  	_ =	swait.ge [sflag:s18], $0x3600  }
0x1c: {  	[sflag:s18] =	ssyncset.done $0x0  }
0x1d: {  	[sflag:s18] =	ssyncadd.s32 $0xFFFFCA00  }
.LBB2_12:
0x1e: {  	s2 =	sadd.s32 $0x1, s2  }
0x1f: {  	p1 =	sne.s32 s2, s16  }
.Ltmp1:
0x20: {  	[bflag:$0x0] =	sbarrier.arrive $0xFFFF;
	(pc) =	sbr.rel @!p1 .LBB2_13-.Ltmp1, $4  }
0x21: {  	[hbm:s15], [sflag:s6] =	dma.local [spmem:s17], $0x2C04  }
0x22: {  	_ =	swait.ge [sflag:s18], $0x2C04  }
0x23: {  	[sflag:s18] =	ssyncset.done $0x0  }
0x24: {  	[sflag:s18] =	ssyncadd.s32 $0xFFFFD3FC  }
.LBB2_1:
0x25: {  	[spmem:s17], [sflag:s6] =	dma.local [hbm:s5], $0x2C04  }
.Ltmp2:
0x26: {  	_ =	swait.ge [sflag:s18], $0x2C04;
	(pc) =	sbr.rel @p0 .LBB2_7-.Ltmp2, $4  }
0x27: {  	[sflag:s18] =	ssyncset.done $0x0  }
0x28: {  	[sflag:s18] =	ssyncadd.s32 $0xFFFFD3FC  }
0x29: {  	[bflag:$0x0] =	sbarrier.arrive $0xFFFF  }
0x2a: {  	s25 =	simm.s32 $0x0  }
0x2b: {  	[tilespmem:s19], [sflag:$0x1] =	stream.linear.gather [hbm4b:s11+s25], $0x1740, $0x38;
	[tilespmem:$0x1E4E0] =	vst v63  }
0x2c: {  	_ =	swait.ge [sflag:s18], $0x1740  }
0x2d: {  	[sflag:s18] =	ssyncset.done $0x0  }
0x2e: {  	[sflag:s18] =	ssyncadd.s32 $0xFFFFE8C0  }
0x2f: {  	[tilespmem:s20], [sflag:$0x1] =	stream.linear.gather [hbm4b:s12+s25], $0x1740, $0x38;
	[tilespmem:$0x1E4E0] =	vst v63  }
0x30: {  	_ =	swait.ge [sflag:s18], $0x1740  }
0x31: {  	[sflag:s18] =	ssyncset.done $0x0  }
0x32: {  	s30 =	simm.s32 $0x16020;
	[sflag:s18] =	ssyncadd.s32 $0xFFFFE8C0  }
0x33: {  	[tilespmem:s22], [sflag:$0x1] =	stream.indirect.gather [hbm4b:s4+s21], $0x90, s30, s21, $0xb8;
	[tilespmem:$0x1E4E0] =	vst v63  }
0x34: {  	_ =	swait.ge [sflag:s18], $0x3600  }
0x35: {  	[sflag:s18] =	ssyncset.done $0x0  }
0x36: {  	s31 =	simm.s32 $0x17760;
	[sflag:s18] =	ssyncadd.s32 $0xFFFFCA00  }
0x37: {  	[spmem:s1] =	stream.indirect.scatter.add.f32 [tilespmem:s22], [sflag:$0x1], $0x90, s31, s21, $0xb8;
	[tilespmem:$0x1E4E0] =	vst v63  }
0x38: {  	_ =	swait.ge [sflag:s18], $0x3600  }
0x39: {  	s26 =	simm.s32 $0x300;
	s25 =	simm.s32 $0x60;
	[sflag:s18] =	ssyncset.done $0x0  }
.LBB2_3:
0x3a: {  	s28 =	sadd.s32 $0x16020, s25  }
0x3b: {  	[sflag:s18] =	ssyncadd.s32 $0xFFFFCA00;
	s29 =	smov.u32 s26;
	s30 =	sadd.s32 $0x180, s26  }
0x3c: {  	[tilespmem:s22], [sflag:$0x1] =	stream.indirect.gather [hbm4b:s4+s21], $0x90, s28, s21, $0xb8;
	[tilespmem:$0x1E4E0] =	vst v63  }
0x3d: {  	p1 =	sne.s32 s26, $0x5B80;
	_ =	swait.ge [sflag:s18], $0x3600  }
.Ltmp3:
0x3e: {  	[sflag:s18] =	ssyncset.done $0x0;
	(pc) =	sbr.rel @p1 .LBB2_3-.Ltmp3, $4  }
0x3f: {  	s25 =	sadd.s32 $0x17760, s25;
	[sflag:s18] =	ssyncadd.s32 $0xFFFFCA00  }
0x40: {  	[spmem:s1] =	stream.indirect.scatter.add.f32 [tilespmem:s22], [sflag:$0x1], $0x90, s25, s21, $0xb8;
	[tilespmem:$0x1E4E0] =	vst v63  }
0x41: {  	_ =	swait.ge [sflag:s18], $0x3600  }
0x42: {  	s26 =	smov.u32 s30;
	s25 =	sshra.s32 s29, $0x2;
	[sflag:s18] =	ssyncset.done $0x0  }
0x43: {  	s26 =	sadd.s32 $0x16020, s25;
	[sflag:s18] =	ssyncadd.s32 $0xFFFFCA00  }
0x44: {  	[tilespmem:s22], [sflag:$0x1] =	stream.indirect.gather [hbm4b:s4+s21], $0x90, s26, s21, $0xb8;
	[tilespmem:$0x1E4E0] =	vst v63  }
0x45: {  	_ =	swait.ge [sflag:s18], $0x3600  }
0x46: {  	[sflag:s18] =	ssyncset.done $0x0  }
0x47: {  	s28 =	sadd.s32 $0x17760, s25;
	[sflag:s18] =	ssyncadd.s32 $0xFFFFCA00  }
0x48: {  	[spmem:s1] =	stream.indirect.scatter.add.f32 [tilespmem:s22], [sflag:$0x1], $0x90, s28, s21, $0xb8;
	[tilespmem:$0x1E4E0] =	vst v63  }
0x49: {  	_ =	swait.ge [sflag:s18], $0x3600  }
0x4a: {  	[sflag:s18] =	ssyncset.done $0x0  }
0x4b: {  	s29 =	simm.s32 $0x0;
	[sflag:s18] =	ssyncadd.s32 $0xFFFFCA00  }
0x4c: {  	[tilespmem:s19], [sflag:$0x1] =	stream.linear.gather [hbm4b:s13+s29], $0x1740, $0x38;
	[tilespmem:$0x1E4E0] =	vst v63  }
0x4d: {  	_ =	swait.ge [sflag:s18], $0x1740  }
0x4e: {  	[sflag:s18] =	ssyncset.done $0x0  }
0x4f: {  	[sflag:s18] =	ssyncadd.s32 $0xFFFFE8C0  }
0x50: {  	[tilespmem:s20], [sflag:$0x1] =	stream.linear.gather [hbm4b:s14+s29], $0x1740, $0x38;
	[tilespmem:$0x1E4E0] =	vst v63  }
0x51: {  	_ =	swait.ge [sflag:s18], $0x1740  }
0x52: {  	[sflag:s18] =	ssyncset.done $0x0  }
0x53: {  	s30 =	simm.s32 $0x16020;
	[sflag:s18] =	ssyncadd.s32 $0xFFFFE8C0  }
0x54: {  	[tilespmem:s22], [sflag:$0x1] =	stream.indirect.gather [hbm4b:s4+s21], $0x90, s30, s21, $0xb8;
	[tilespmem:$0x1E4E0] =	vst v63  }
0x55: {  	_ =	swait.ge [sflag:s18], $0x3600  }
0x56: {  	[sflag:s18] =	ssyncset.done $0x0  }
0x57: {  	s31 =	simm.s32 $0x17760;
	[sflag:s18] =	ssyncadd.s32 $0xFFFFCA00  }
0x58: {  	[spmem:s1] =	stream.indirect.scatter.add.f32 [tilespmem:s22], [sflag:$0x1], $0x90, s31, s21, $0xb8;
	[tilespmem:$0x1E4E0] =	vst v63  }
0x59: {  	_ =	swait.ge [sflag:s18], $0x3600  }
0x5a: {  	s25 =	simm.s32 $0x60;
	s26 =	simm.s32 $0x300;
	[sflag:s18] =	ssyncset.done $0x0  }
.LBB2_5:
0x5b: {  	s28 =	sadd.s32 $0x16020, s25  }
0x5c: {  	[sflag:s18] =	ssyncadd.s32 $0xFFFFCA00;
	s29 =	smov.u32 s26;
	s30 =	sadd.s32 $0x180, s26  }
0x5d: {  	[tilespmem:s22], [sflag:$0x1] =	stream.indirect.gather [hbm4b:s4+s21], $0x90, s28, s21, $0xb8;
	[tilespmem:$0x1E4E0] =	vst v63  }
0x5e: {  	p1 =	seq.s32 s26, $0x5B80;
	_ =	swait.ge [sflag:s18], $0x3600  }
.Ltmp4:
0x5f: {  	[sflag:s18] =	ssyncset.done $0x0;
	(pc) =	sbr.rel @!p1 .LBB2_5-.Ltmp4, $4  }
0x60: {  	s25 =	sadd.s32 $0x17760, s25;
	[sflag:s18] =	ssyncadd.s32 $0xFFFFCA00  }
0x61: {  	[spmem:s1] =	stream.indirect.scatter.add.f32 [tilespmem:s22], [sflag:$0x1], $0x90, s25, s21, $0xb8;
	[tilespmem:$0x1E4E0] =	vst v63  }
0x62: {  	_ =	swait.ge [sflag:s18], $0x3600  }
0x63: {  	s26 =	smov.u32 s30;
	s25 =	sshra.s32 s29, $0x2;
	[sflag:s18] =	ssyncset.done $0x0  }
0x64: {  	s26 =	sadd.s32 $0x16020, s25;
	[sflag:s18] =	ssyncadd.s32 $0xFFFFCA00  }
0x65: {  	[tilespmem:s22], [sflag:$0x1] =	stream.indirect.gather [hbm4b:s4+s21], $0x90, s26, s21, $0xb8;
	[tilespmem:$0x1E4E0] =	vst v63  }
0x66: {  	_ =	swait.ge [sflag:s18], $0x3600  }
0x67: {  	[sflag:s18] =	ssyncset.done $0x0  }
.Ltmp5:
0x68: {  	s31 =	sadd.s32 $0x17760, s25;
	[sflag:s18] =	ssyncadd.s32 $0xFFFFCA00;
	(pc) =	sbr.rel .LBB2_12-.Ltmp5, $4  }
0x69: {  	[spmem:s1] =	stream.indirect.scatter.add.f32 [tilespmem:s22], [sflag:$0x1], $0x90, s31, s21, $0xb8;
	[tilespmem:$0x1E4E0] =	vst v63  }
0x6a: {  	_ =	swait.ge [sflag:s18], $0x3600  }
0x6b: {  	[sflag:s18] =	ssyncset.done $0x0  }
0x6c: {  	[sflag:s18] =	ssyncadd.s32 $0xFFFFCA00  }
.LBB2_7:
0x6d: {  	[tilespmem:s23], [sflag:$0x1] =	stream.linear.gather [hbm4b:s7+s25], $0x1020, $0x38;
	[tilespmem:$0x1E4E0] =	vst v63  }
0x6e: {  	_ =	swait.ge [sflag:s18], $0x1020  }
0x6f: {  	[sflag:s18] =	ssyncset.done $0x0  }
0x70: {  	[sflag:s18] =	ssyncadd.s32 $0xFFFFEFE0  }
0x71: {  	[tilespmem:s24], [sflag:$0x1] =	stream.linear.gather [hbm4b:s8+s25], $0x1020, $0x38;
	[tilespmem:$0x1E4E0] =	vst v63  }
0x72: {  	_ =	swait.ge [sflag:s18], $0x1020  }
0x73: {  	[sflag:s18] =	ssyncset.done $0x0  }
0x74: {  	s30 =	simm.s32 $0x18EA0;
	[sflag:s18] =	ssyncadd.s32 $0xFFFFEFE0  }
0x75: {  	[tilespmem:s22], [sflag:$0x1] =	stream.indirect.gather [hbm4b:s4+s21], $0x90, s30, s21, $0xb8;
	[tilespmem:$0x1E4E0] =	vst v63  }
0x76: {  	_ =	swait.ge [sflag:s18], $0x3600  }
0x77: {  	[sflag:s18] =	ssyncset.done $0x0  }
0x78: {  	s31 =	simm.s32 $0x19EC0;
	[sflag:s18] =	ssyncadd.s32 $0xFFFFCA00  }
0x79: {  	[spmem:s1] =	stream.indirect.scatter.add.f32 [tilespmem:s22], [sflag:$0x1], $0x90, s31, s21, $0xb8;
	[tilespmem:$0x1E4E0] =	vst v63  }
0x7a: {  	_ =	swait.ge [sflag:s18], $0x3600  }
0x7b: {  	s26 =	simm.s32 $0x300;
	s25 =	simm.s32 $0x60;
	[sflag:s18] =	ssyncset.done $0x0  }
.LBB2_8:
0x7c: {  	s28 =	sadd.s32 $0x18EA0, s25  }
0x7d: {  	[sflag:s18] =	ssyncadd.s32 $0xFFFFCA00;
	s29 =	smov.u32 s26;
	s30 =	sadd.s32 $0x180, s26  }
0x7e: {  	[tilespmem:s22], [sflag:$0x1] =	stream.indirect.gather [hbm4b:s4+s21], $0x90, s28, s21, $0xb8;
	[tilespmem:$0x1E4E0] =	vst v63  }
0x7f: {  	p1 =	sne.s32 s26, $0x3F00;
	_ =	swait.ge [sflag:s18], $0x3600  }
.Ltmp6:
0x80: {  	[sflag:s18] =	ssyncset.done $0x0;
	(pc) =	sbr.rel @p1 .LBB2_8-.Ltmp6, $4  }
0x81: {  	s25 =	sadd.s32 $0x19EC0, s25;
	[sflag:s18] =	ssyncadd.s32 $0xFFFFCA00  }
0x82: {  	[spmem:s1] =	stream.indirect.scatter.add.f32 [tilespmem:s22], [sflag:$0x1], $0x90, s25, s21, $0xb8;
	[tilespmem:$0x1E4E0] =	vst v63  }
0x83: {  	_ =	swait.ge [sflag:s18], $0x3600  }
0x84: {  	s26 =	smov.u32 s30;
	s25 =	sshra.s32 s29, $0x2;
	[sflag:s18] =	ssyncset.done $0x0  }
0x85: {  	s26 =	sadd.s32 $0x18EA0, s25;
	[sflag:s18] =	ssyncadd.s32 $0xFFFFCA00  }
0x86: {  	[tilespmem:s22], [sflag:$0x1] =	stream.indirect.gather [hbm4b:s4+s21], $0x90, s26, s21, $0xb8;
	[tilespmem:$0x1E4E0] =	vst v63  }
0x87: {  	_ =	swait.ge [sflag:s18], $0x3600  }
0x88: {  	[sflag:s18] =	ssyncset.done $0x0  }
0x89: {  	s28 =	sadd.s32 $0x19EC0, s25;
	[sflag:s18] =	ssyncadd.s32 $0xFFFFCA00  }
0x8a: {  	[spmem:s1] =	stream.indirect.scatter.add.f32 [tilespmem:s22], [sflag:$0x1], $0x90, s28, s21, $0xb8;
	[tilespmem:$0x1E4E0] =	vst v63  }
0x8b: {  	_ =	swait.ge [sflag:s18], $0x3600  }
0x8c: {  	[sflag:s18] =	ssyncset.done $0x0  }
0x8d: {  	s29 =	simm.s32 $0x0;
	[sflag:s18] =	ssyncadd.s32 $0xFFFFCA00  }
0x8e: {  	[tilespmem:s23], [sflag:$0x1] =	stream.linear.gather [hbm4b:s9+s29], $0x1020, $0x38;
	[tilespmem:$0x1E4E0] =	vst v63  }
0x8f: {  	_ =	swait.ge [sflag:s18], $0x1020  }
0x90: {  	[sflag:s18] =	ssyncset.done $0x0  }
0x91: {  	[sflag:s18] =	ssyncadd.s32 $0xFFFFEFE0  }
0x92: {  	[tilespmem:s24], [sflag:$0x1] =	stream.linear.gather [hbm4b:s10+s29], $0x1020, $0x38;
	[tilespmem:$0x1E4E0] =	vst v63  }
0x93: {  	_ =	swait.ge [sflag:s18], $0x1020  }
0x94: {  	[sflag:s18] =	ssyncset.done $0x0  }
0x95: {  	s30 =	simm.s32 $0x18EA0;
	[sflag:s18] =	ssyncadd.s32 $0xFFFFEFE0  }
0x96: {  	[tilespmem:s22], [sflag:$0x1] =	stream.indirect.gather [hbm4b:s4+s21], $0x90, s30, s21, $0xb8;
	[tilespmem:$0x1E4E0] =	vst v63  }
0x97: {  	_ =	swait.ge [sflag:s18], $0x3600  }
0x98: {  	[sflag:s18] =	ssyncset.done $0x0  }
0x99: {  	s31 =	simm.s32 $0x19EC0;
	[sflag:s18] =	ssyncadd.s32 $0xFFFFCA00  }
0x9a: {  	[spmem:s1] =	stream.indirect.scatter.add.f32 [tilespmem:s22], [sflag:$0x1], $0x90, s31, s21, $0xb8;
	[tilespmem:$0x1E4E0] =	vst v63  }
0x9b: {  	_ =	swait.ge [sflag:s18], $0x3600  }
0x9c: {  	s25 =	simm.s32 $0x60;
	s26 =	simm.s32 $0x300;
	[sflag:s18] =	ssyncset.done $0x0  }
.LBB2_10:
0x9d: {  	s28 =	sadd.s32 $0x18EA0, s25  }
0x9e: {  	[sflag:s18] =	ssyncadd.s32 $0xFFFFCA00;
	s29 =	smov.u32 s26;
	s30 =	sadd.s32 $0x180, s26  }
0x9f: {  	[tilespmem:s22], [sflag:$0x1] =	stream.indirect.gather [hbm4b:s4+s21], $0x90, s28, s21, $0xb8;
	[tilespmem:$0x1E4E0] =	vst v63  }
0xa0: {  	p1 =	sne.s32 s26, $0x3F00;
	_ =	swait.ge [sflag:s18], $0x3600  }
.Ltmp7:
0xa1: {  	[sflag:s18] =	ssyncset.done $0x0;
	(pc) =	sbr.rel @p1 .LBB2_10-.Ltmp7, $4  }
0xa2: {  	s25 =	sadd.s32 $0x19EC0, s25;
	[sflag:s18] =	ssyncadd.s32 $0xFFFFCA00  }
0xa3: {  	[spmem:s1] =	stream.indirect.scatter.add.f32 [tilespmem:s22], [sflag:$0x1], $0x90, s25, s21, $0xb8;
	[tilespmem:$0x1E4E0] =	vst v63  }
0xa4: {  	_ =	swait.ge [sflag:s18], $0x3600  }
0xa5: {  	s26 =	smov.u32 s30;
	s25 =	sshra.s32 s29, $0x2;
	[sflag:s18] =	ssyncset.done $0x0  }
.Ltmp8:
0xa6: {  	_ = 	snop;
	(pc) =	sbr.rel .LBB2_11-.Ltmp8, $1  }
0xa7: {  	_ =	sdelay $0x3  }
.LBB2_13:
0xa8: {  	_ =	sfence.sel $0x180000  }
0xa9: {  	[bflag:$0x0] =	sbarrier.arrive $0xFFFF  }
0xaa: {  	p0 =	sne.s32 s3, $0x0;
	_ =	strace $0x90000047  }
0xab: {  	s0 =	sadd.s32 @!p0 $0x100000, s0;
	[bflag:$0x2] =	sbarrier.arrive $0xFFFF  }
0xac: {  	[sflag:s0] =	ssyncadd.tile.s32 @!p0 $0x1;
	_ =	shalt  }
.Lfunc_end2:
_tile_overlayer_lowered:
.L_overlay_start_2:
0xad: {  	(tag) =	ssettag $0x2  }
0xae: {  	s0 =	rddreg [dreg:$0x0];
	s2 =	stileid.u32  }
0xaf: {  	s1 =	rddreg [dreg:$0x1];
	p0 =	sne.s32 s2, $0x0  }
0xb0: {  	s3 =	rddreg [dreg:$0x2];
	[bflag:$0x3] =	sbarrier.arrive $0xFFFF;
	s2 =	simm.s32 @!p0 $0x1C01  }
0xb1: {  	[timem:s3], [sflag:s2] =	dma.local @!p0 [hbm:s0], s1  }
0xb2: {  	s0 =	simm.s32 @!p0 $0x1  }
0xb3: {  	_ =	swait.ge @!p0 [sflag:s0], s1  }
0xb4: {  	s1 =	ssub.s32 @!p0 $0x0, s1;
	[sflag:s0] =	ssyncset.done @!p0 $0x0  }
0xb5: {  	[sflag:s0] =	ssyncadd.s32 @!p0 s1  }
0xb6: {  	[bflag:$0x3] =	sbarrier.arrive $0xFFFF  }
0xb7: {  	_ =	shalt  }

</sc_bundles>
